<compile_context>
chip_gen: v7x
topology: tpu7x:2x2x1
jax: 0.10.2.dev20260603
libtpu: 0.0.44.dev20260713+nightly
codegen_flags: <defaults>
</compile_context>

<pallas_src>
import functools

import jax
import jax.numpy as jnp
from jax import lax
from jax.experimental import pallas as pl
from jax.experimental.pallas import tpu as pltpu
from jax.experimental.pallas import tpu_sc as plsc

_LANE = 16
_NC, _NS = 2, 16
_NW = _NC * _NS
_NSLOTS = 4


@functools.lru_cache(maxsize=None)
def _build(batch, seq_len, emb_dim):
    n_tok = batch * seq_len
    tok_per_w = n_tok // _NW
    tok_chunk = seq_len
    rows_per_w = batch // _NW
    n_chunks = tok_per_w // tok_chunk
    n_groups = emb_dim // _LANE
    subs = []
    off = 0
    while off < tok_chunk:
        sz = min(128, tok_chunk - off)
        subs.append((off, sz))
        off += sz

    mesh = plsc.VectorSubcoreMesh(core_axis_name="c", subcore_axis_name="s")

    @functools.partial(
        pl.kernel,
        out_type=jax.ShapeDtypeStruct((batch, seq_len, emb_dim), jnp.float32),
        mesh=mesh,
        scratch_types=[
            pltpu.VMEM((tok_per_w,), jnp.int32),
            pltpu.VMEM((_NSLOTS, tok_chunk, emb_dim), jnp.float32),
            pltpu.VMEM((seq_len, emb_dim), jnp.float32),
        ]
        + [pltpu.SemaphoreType.DMA] * (2 * _NSLOTS),
        compiler_params=pltpu.CompilerParams(use_tc_tiling_on_sc=False),
    )
    def emb_kernel(x_hbm, tok_hbm, pos_hbm, out_hbm, idx_v, rows_v, pos_v,
                   *sems):
        sem_g = sems[:_NSLOTS]
        sem_o = sems[_NSLOTS:]
        wid = lax.axis_index("s") * _NC + lax.axis_index("c")
        base = wid * tok_per_w
        brow0 = wid * rows_per_w
        pltpu.sync_copy(pos_hbm.at[pl.ds(0, seq_len)], pos_v)
        pltpu.sync_copy(x_hbm.at[pl.ds(base, tok_per_w)], idx_v)

        def fire_gather(c, slot):
            for so, sz in subs:
                pltpu.async_copy(
                    tok_hbm.at[idx_v.at[pl.ds(c * tok_chunk + so, sz)]],
                    rows_v.at[slot].at[pl.ds(so, sz)],
                    sem_g[slot],
                )

        def wait_gather(c, slot):
            for so, sz in subs:
                pltpu.make_async_copy(
                    tok_hbm.at[idx_v.at[pl.ds(c * tok_chunk + so, sz)]],
                    rows_v.at[slot].at[pl.ds(so, sz)],
                    sem_g[slot],
                ).wait()

        def fire_scatter(c, slot):
            pltpu.async_copy(
                rows_v.at[slot],
                out_hbm.at[brow0 + c],
                sem_o[slot],
            )

        def wait_scatter(c, slot):
            pltpu.make_async_copy(
                rows_v.at[slot],
                out_hbm.at[brow0 + c],
                sem_o[slot],
            ).wait()

        fire_gather(0, 0)
        fire_gather(1, 1)

        def body(q, carry):
            for j in range(_NSLOTS):
                c = q * _NSLOTS + j
                nxt = (j + 2) % _NSLOTS

                @pl.when(c + 2 < n_chunks)
                def _():
                    @pl.when(c >= 2)
                    def _():
                        wait_scatter(c - 2, nxt)

                    fire_gather(c + 2, nxt)

                wait_gather(c, j)

                def add_body(u, _):
                    for r in range(2):
                        t = u * 2 + r
                        for d in range(n_groups):
                            sl = pl.ds(d * _LANE, _LANE)
                            rows_v[j, t, sl] += pos_v[t, sl]
                    return 0

                lax.fori_loop(0, tok_chunk // 2, add_body, 0)
                fire_scatter(c, j)
            return carry

        lax.fori_loop(0, n_chunks // _NSLOTS, body, 0)
        wait_scatter(n_chunks - 2, (n_chunks - 2) % _NSLOTS)
        wait_scatter(n_chunks - 1, (n_chunks - 1) % _NSLOTS)

    return emb_kernel


@jax.jit
def kernel(x, token_table, pos_table):
    batch, seq_len = x.shape
    emb_dim = token_table.shape[1]
    xf = x.reshape(-1).astype(jnp.int32)
    return _build(batch, seq_len, emb_dim)(xf, token_table, pos_table)

# --- scband reference (transcript-rebuilt; emitter-appended) ---
"""Pipeline reference for scband-embedding-68410239090932 (READ-ONLY COPY).

The authoritative reference and input builder live on the scoring server;
editing this copy changes nothing except your own understanding.
"""

import jax, jax.numpy as jnp
import numpy as np

VOCAB = 100000
EMBED_DIM = 64
MAX_SEQ_LEN = 512
BATCH = 4096
SEQ_LEN = 200


def setup_inputs(seed: int = 0) -> dict:
    key = jax.random.key(seed)
    k1, k2, k3 = jax.random.split(key, 3)
    x = jax.random.randint(k1, (BATCH, SEQ_LEN), 0, VOCAB, dtype=jnp.int64 if jax.config.jax_enable_x64 else jnp.int32)
    token_table = jax.random.normal(k2, (VOCAB, EMBED_DIM), dtype=jnp.float32)
    pos_table = jax.random.normal(k3, (MAX_SEQ_LEN, EMBED_DIM), dtype=jnp.float32)
    return {"x": x, "token_table": token_table, "pos_table": pos_table}


def reference(x, token_table, pos_table):
    # token embedding lookup (gather)
    token_embeddings = jnp.take(token_table, x, axis=0)  # [B, L, D]
    # positional encodings: arange(L) broadcast over batch
    seq_len = x.shape[1]
    x_pos = jnp.arange(seq_len)
    positional_encodings = jnp.take(pos_table, x_pos, axis=0)  # [L, D]
    positional_encodings = jnp.broadcast_to(positional_encodings[None, :, :], token_embeddings.shape)
    embedding = token_embeddings + positional_encodings
    return embedding

if __name__ == "__main__":
    import jax
    _d = setup_inputs()
    print(jax.jit(kernel)(*tuple(_d.values())))

</pallas_src>

<mosaic_0001>
#map = affine_map<(d0, d1) -> (0)>
#map1 = affine_map<(d0, d1) -> (0, 0)>
#map2 = affine_map<(d0, d1) -> (0, 0, 0)>
module attributes {stable_mosaic.version = 14 : i64} {
  func.func @emb_kernel(%arg0: i32, %arg1: i32, %arg2: memref<819200xi32, #tpu.memory_space<hbm>>, %arg3: memref<100000x64xf32, #tpu.memory_space<hbm>>, %arg4: memref<512x64xf32, #tpu.memory_space<hbm>>, %arg5: memref<4096x200x64xf32, #tpu.memory_space<hbm>>, %arg6: memref<25600xi32, #tpu.memory_space<vmem>>, %arg7: memref<4x200x64xf32, #tpu.memory_space<vmem>>, %arg8: memref<200x64xf32, #tpu.memory_space<vmem>>, %arg9: memref<!tpu.dma_semaphore, #tpu.memory_space<semaphore_mem>>, %arg10: memref<!tpu.dma_semaphore, #tpu.memory_space<semaphore_mem>>, %arg11: memref<!tpu.dma_semaphore, #tpu.memory_space<semaphore_mem>>, %arg12: memref<!tpu.dma_semaphore, #tpu.memory_space<semaphore_mem>>, %arg13: memref<!tpu.dma_semaphore, #tpu.memory_space<semaphore_mem>>, %arg14: memref<!tpu.dma_semaphore, #tpu.memory_space<semaphore_mem>>, %arg15: memref<!tpu.dma_semaphore, #tpu.memory_space<semaphore_mem>>, %arg16: memref<!tpu.dma_semaphore, #tpu.memory_space<semaphore_mem>>) attributes {dimension_semantics = [#tpu.dimension_semantics<core_parallel>, #tpu.dimension_semantics<subcore_parallel>], iteration_bounds = array<i64: 2, 16>, scalar_prefetch = 0 : i64, scratch_operands = 11 : i64, tpu.core_type = #tpu.core_type<sc_vector_subcore>, window_params = [{transform_indices = #map}, {transform_indices = #map1}, {transform_indices = #map1}, {transform_indices = #map2}]} {
    %mul3A = arith.constant 2 : i32
    %mul3A_0 = arith.muli %arg1, %mul3A : i32
    %add3A = arith.addi %mul3A_0, %arg0 : i32
    %mul3A_1 = arith.constant 25600 : i32
    %mul3A_2 = arith.muli %add3A, %mul3A_1 : i32
    %mul3A_3 = arith.constant 128 : i32
    %mul3A_4 = arith.muli %add3A, %mul3A_3 : i32
    "tpu.region"() ({
      %run_scoped3A = tpu.sem_alloc : memref<!tpu.dma_semaphore, #tpu.memory_space<semaphore_mem>>
      %dma_start3A_98 = arith.constant 0 : i32
      %dma_start3A_99 = arith.constant 0 : i32
      %dma_start3A_100 = tpu.memref_slice %arg4[%dma_start3A_98, %dma_start3A_99] : memref<512x64xf32, #tpu.memory_space<hbm>> -> memref<200x64xf32, #tpu.memory_space<hbm>>
      %dma_start3A_101 = arith.constant 0 : i32
      %dma_start3A_102 = arith.constant 0 : i32
      %dma_start3A_103 = tpu.memref_slice %arg4[%dma_start3A_101, %dma_start3A_102] : memref<512x64xf32, #tpu.memory_space<hbm>> -> memref<200x64xf32, #tpu.memory_space<hbm>>
      tpu.enqueue_dma source(%dma_start3A_103 : memref<200x64xf32, #tpu.memory_space<hbm>>) target(%arg8 : memref<200x64xf32, #tpu.memory_space<vmem>>) target_semaphore(%run_scoped3A : memref<!tpu.dma_semaphore, #tpu.memory_space<semaphore_mem>>)
      %dma_wait3A_104 = arith.constant 0 : i32
      %dma_wait3A_105 = arith.constant 0 : i32
      %dma_wait3A_106 = tpu.memref_slice %arg4[%dma_wait3A_104, %dma_wait3A_105] : memref<512x64xf32, #tpu.memory_space<hbm>> -> memref<200x64xf32, #tpu.memory_space<hbm>>
      %dma_wait3A_107 = arith.constant 0 : i32
      %dma_wait3A_108 = arith.constant 0 : i32
      %dma_wait3A_109 = tpu.memref_slice %arg4[%dma_wait3A_107, %dma_wait3A_108] : memref<512x64xf32, #tpu.memory_space<hbm>> -> memref<200x64xf32, #tpu.memory_space<hbm>>
      tpu.wait_dma2 semaphore(%run_scoped3A : memref<!tpu.dma_semaphore, #tpu.memory_space<semaphore_mem>>) src(%dma_wait3A_109 : memref<200x64xf32, #tpu.memory_space<hbm>>) dst(%arg8 : memref<200x64xf32, #tpu.memory_space<vmem>>)
      tpu.yield
    }) : () -> ()
    "tpu.region"() ({
      %run_scoped3A = tpu.sem_alloc : memref<!tpu.dma_semaphore, #tpu.memory_space<semaphore_mem>>
      %dma_start3A_98 = tpu.memref_slice %arg2[%mul3A_2] : memref<819200xi32, #tpu.memory_space<hbm>> -> memref<25600xi32, #tpu.memory_space<hbm>>
      %dma_start3A_99 = tpu.memref_slice %arg2[%mul3A_2] : memref<819200xi32, #tpu.memory_space<hbm>> -> memref<25600xi32, #tpu.memory_space<hbm>>
      tpu.enqueue_dma source(%dma_start3A_99 : memref<25600xi32, #tpu.memory_space<hbm>>) target(%arg6 : memref<25600xi32, #tpu.memory_space<vmem>>) target_semaphore(%run_scoped3A : memref<!tpu.dma_semaphore, #tpu.memory_space<semaphore_mem>>)
      %dma_wait3A_100 = tpu.memref_slice %arg2[%mul3A_2] : memref<819200xi32, #tpu.memory_space<hbm>> -> memref<25600xi32, #tpu.memory_space<hbm>>
      %dma_wait3A_101 = tpu.memref_slice %arg2[%mul3A_2] : memref<819200xi32, #tpu.memory_space<hbm>> -> memref<25600xi32, #tpu.memory_space<hbm>>
      tpu.wait_dma2 semaphore(%run_scoped3A : memref<!tpu.dma_semaphore, #tpu.memory_space<semaphore_mem>>) src(%dma_wait3A_101 : memref<25600xi32, #tpu.memory_space<hbm>>) dst(%arg6 : memref<25600xi32, #tpu.memory_space<vmem>>)
      tpu.yield
    }) : () -> ()
    %dma_start3A = arith.constant 0 : i32
    %dma_start3A_5 = arith.constant 0 : i32
    %dma_start3A_6 = arith.constant 0 : i32
    %dma_start3A_7 = tpu.memref_slice %arg7[%dma_start3A, %dma_start3A_5, %dma_start3A_6] : memref<4x200x64xf32, #tpu.memory_space<vmem>> -> memref<1x200x64xf32, #tpu.memory_space<vmem>>
    %dma_start3A_8 = tpu.memref_squeeze %dma_start3A_7 : memref<1x200x64xf32, #tpu.memory_space<vmem>> -> memref<200x64xf32, #tpu.memory_space<vmem>>
    %dma_start3A_9 = arith.constant 0 : i32
    %dma_start3A_10 = arith.constant 0 : i32
    %dma_start3A_11 = tpu.memref_slice %dma_start3A_8[%dma_start3A_9, %dma_start3A_10] : memref<200x64xf32, #tpu.memory_space<vmem>> -> memref<128x64xf32, #tpu.memory_space<vmem>>
    %dma_start3A_12 = arith.constant 0 : i32
    %dma_start3A_13 = tpu.memref_slice %arg6[%dma_start3A_12] : memref<25600xi32, #tpu.memory_space<vmem>> -> memref<128xi32, #tpu.memory_space<vmem>>
    %dma_start3A_14 = arith.constant 0 : i32
    %dma_start3A_15 = arith.constant 0 : i32
    %dma_start3A_16 = tpu.memref_slice %arg3[%dma_start3A_14, %dma_start3A_15] : memref<100000x64xf32, #tpu.memory_space<hbm>> -> memref<100000x64xf32, #tpu.memory_space<hbm>>
    tpu.enqueue_indirect_dma source(%dma_start3A_16 : memref<100000x64xf32, #tpu.memory_space<hbm>>) target(%dma_start3A_11 : memref<128x64xf32, #tpu.memory_space<vmem>>) offsets(%dma_start3A_13 : memref<128xi32, #tpu.memory_space<vmem>>) semaphore(%arg9 : memref<!tpu.dma_semaphore, #tpu.memory_space<semaphore_mem>>)
    %dma_start3A_17 = arith.constant 0 : i32
    %dma_start3A_18 = arith.constant 0 : i32
    %dma_start3A_19 = arith.constant 0 : i32
    %dma_start3A_20 = tpu.memref_slice %arg7[%dma_start3A_17, %dma_start3A_18, %dma_start3A_19] : memref<4x200x64xf32, #tpu.memory_space<vmem>> -> memref<1x200x64xf32, #tpu.memory_space<vmem>>
    %dma_start3A_21 = tpu.memref_squeeze %dma_start3A_20 : memref<1x200x64xf32, #tpu.memory_space<vmem>> -> memref<200x64xf32, #tpu.memory_space<vmem>>
    %dma_start3A_22 = arith.constant 128 : i32
    %dma_start3A_23 = arith.constant 0 : i32
    %dma_start3A_24 = tpu.memref_slice %dma_start3A_21[%dma_start3A_22, %dma_start3A_23] : memref<200x64xf32, #tpu.memory_space<vmem>> -> memref<72x64xf32, #tpu.memory_space<vmem>>
    %dma_start3A_25 = arith.constant 128 : i32
    %dma_start3A_26 = tpu.memref_slice %arg6[%dma_start3A_25] : memref<25600xi32, #tpu.memory_space<vmem>> -> memref<72xi32, #tpu.memory_space<vmem>>
    %dma_start3A_27 = arith.constant 0 : i32
    %dma_start3A_28 = arith.constant 0 : i32
    %dma_start3A_29 = tpu.memref_slice %arg3[%dma_start3A_27, %dma_start3A_28] : memref<100000x64xf32, #tpu.memory_space<hbm>> -> memref<100000x64xf32, #tpu.memory_space<hbm>>
    tpu.enqueue_indirect_dma source(%dma_start3A_29 : memref<100000x64xf32, #tpu.memory_space<hbm>>) target(%dma_start3A_24 : memref<72x64xf32, #tpu.memory_space<vmem>>) offsets(%dma_start3A_26 : memref<72xi32, #tpu.memory_space<vmem>>) semaphore(%arg9 : memref<!tpu.dma_semaphore, #tpu.memory_space<semaphore_mem>>)
    %dma_start3A_30 = arith.constant 1 : i32
    %dma_start3A_31 = arith.constant 0 : i32
    %dma_start3A_32 = arith.constant 0 : i32
    %dma_start3A_33 = tpu.memref_slice %arg7[%dma_start3A_30, %dma_start3A_31, %dma_start3A_32] : memref<4x200x64xf32, #tpu.memory_space<vmem>> -> memref<1x200x64xf32, #tpu.memory_space<vmem>>
    %dma_start3A_34 = tpu.memref_squeeze %dma_start3A_33 : memref<1x200x64xf32, #tpu.memory_space<vmem>> -> memref<200x64xf32, #tpu.memory_space<vmem>>
    %dma_start3A_35 = arith.constant 0 : i32
    %dma_start3A_36 = arith.constant 0 : i32
    %dma_start3A_37 = tpu.memref_slice %dma_start3A_34[%dma_start3A_35, %dma_start3A_36] : memref<200x64xf32, #tpu.memory_space<vmem>> -> memref<128x64xf32, #tpu.memory_space<vmem>>
    %dma_start3A_38 = arith.constant 200 : i32
    %dma_start3A_39 = tpu.memref_slice %arg6[%dma_start3A_38] : memref<25600xi32, #tpu.memory_space<vmem>> -> memref<128xi32, #tpu.memory_space<vmem>>
    %dma_start3A_40 = arith.constant 0 : i32
    %dma_start3A_41 = arith.constant 0 : i32
    %dma_start3A_42 = tpu.memref_slice %arg3[%dma_start3A_40, %dma_start3A_41] : memref<100000x64xf32, #tpu.memory_space<hbm>> -> memref<100000x64xf32, #tpu.memory_space<hbm>>
    tpu.enqueue_indirect_dma source(%dma_start3A_42 : memref<100000x64xf32, #tpu.memory_space<hbm>>) target(%dma_start3A_37 : memref<128x64xf32, #tpu.memory_space<vmem>>) offsets(%dma_start3A_39 : memref<128xi32, #tpu.memory_space<vmem>>) semaphore(%arg10 : memref<!tpu.dma_semaphore, #tpu.memory_space<semaphore_mem>>)
    %dma_start3A_43 = arith.constant 1 : i32
    %dma_start3A_44 = arith.constant 0 : i32
    %dma_start3A_45 = arith.constant 0 : i32
    %dma_start3A_46 = tpu.memref_slice %arg7[%dma_start3A_43, %dma_start3A_44, %dma_start3A_45] : memref<4x200x64xf32, #tpu.memory_space<vmem>> -> memref<1x200x64xf32, #tpu.memory_space<vmem>>
    %dma_start3A_47 = tpu.memref_squeeze %dma_start3A_46 : memref<1x200x64xf32, #tpu.memory_space<vmem>> -> memref<200x64xf32, #tpu.memory_space<vmem>>
    %dma_start3A_48 = arith.constant 128 : i32
    %dma_start3A_49 = arith.constant 0 : i32
    %dma_start3A_50 = tpu.memref_slice %dma_start3A_47[%dma_start3A_48, %dma_start3A_49] : memref<200x64xf32, #tpu.memory_space<vmem>> -> memref<72x64xf32, #tpu.memory_space<vmem>>
    %dma_start3A_51 = arith.constant 328 : i32
    %dma_start3A_52 = tpu.memref_slice %arg6[%dma_start3A_51] : memref<25600xi32, #tpu.memory_space<vmem>> -> memref<72xi32, #tpu.memory_space<vmem>>
    %dma_start3A_53 = arith.constant 0 : i32
    %dma_start3A_54 = arith.constant 0 : i32
    %dma_start3A_55 = tpu.memref_slice %arg3[%dma_start3A_53, %dma_start3A_54] : memref<100000x64xf32, #tpu.memory_space<hbm>> -> memref<100000x64xf32, #tpu.memory_space<hbm>>
    tpu.enqueue_indirect_dma source(%dma_start3A_55 : memref<100000x64xf32, #tpu.memory_space<hbm>>) target(%dma_start3A_50 : memref<72x64xf32, #tpu.memory_space<vmem>>) offsets(%dma_start3A_52 : memref<72xi32, #tpu.memory_space<vmem>>) semaphore(%arg10 : memref<!tpu.dma_semaphore, #tpu.memory_space<semaphore_mem>>)
    %scan3A = arith.constant 0 : i32
    %scan3A_56 = arith.constant 0 : i32
    %scan3A_57 = arith.constant 32 : i32
    %scan3A_58 = arith.addi %scan3A_56, %scan3A_57 : i32
    %scan3A_59 = arith.constant 1 : i32
    scf.for %scan3A_98 = %scan3A_56 to %scan3A_58 step %scan3A_59  : i32 {
      %mul3A_99 = arith.constant 4 : i32
      %mul3A_100 = arith.muli %scan3A_98, %mul3A_99 : i32
      %add3A_101 = arith.constant 0 : i32
      %add3A_102 = arith.addi %mul3A_100, %add3A_101 : i32
      %add3A_103 = arith.constant 2 : i32
      %add3A_104 = arith.addi %add3A_102, %add3A_103 : i32
      %lt3A = arith.constant 128 : i32
      %lt3A_105 = arith.cmpi slt, %add3A_104, %lt3A : i32
      %convert_element_type3A = arith.extui %lt3A_105 : i1 to i32
      %cond3A = arith.constant 0 : i32
      %cond3A_106 = arith.cmpi ne, %convert_element_type3A, %cond3A : i32
      scf.if %cond3A_106 {
        %ge3A = arith.constant 2 : i32
        %ge3A_368 = arith.cmpi sge, %add3A_102, %ge3A : i32
        %convert_element_type3A_369 = arith.extui %ge3A_368 : i1 to i32
        %cond3A_370 = arith.constant 0 : i32
        %cond3A_371 = arith.cmpi ne, %convert_element_type3A_369, %cond3A_370 : i32
        scf.if %cond3A_371 {
          %sub3A = arith.constant 2 : i32
          %sub3A_406 = arith.subi %add3A_102, %sub3A : i32
          %add3A_407 = arith.addi %mul3A_4, %sub3A_406 : i32
          %dma_wait3A_408 = arith.constant 2 : i32
          %dma_wait3A_409 = arith.constant 0 : i32
          %dma_wait3A_410 = arith.constant 0 : i32
          %dma_wait3A_411 = tpu.memref_slice %arg7[%dma_wait3A_408, %dma_wait3A_409, %dma_wait3A_410] : memref<4x200x64xf32, #tpu.memory_space<vmem>> -> memref<1x200x64xf32, #tpu.memory_space<vmem>>
          %dma_wait3A_412 = tpu.memref_squeeze %dma_wait3A_411 : memref<1x200x64xf32, #tpu.memory_space<vmem>> -> memref<200x64xf32, #tpu.memory_space<vmem>>
          %dma_wait3A_413 = arith.constant 0 : i32
          %dma_wait3A_414 = arith.constant 0 : i32
          %dma_wait3A_415 = tpu.memref_slice %arg5[%add3A_407, %dma_wait3A_413, %dma_wait3A_414] : memref<4096x200x64xf32, #tpu.memory_space<hbm>> -> memref<1x200x64xf32, #tpu.memory_space<hbm>>
          %dma_wait3A_416 = tpu.memref_squeeze %dma_wait3A_415 : memref<1x200x64xf32, #tpu.memory_space<hbm>> -> memref<200x64xf32, #tpu.memory_space<hbm>>
          %dma_wait3A_417 = arith.constant 0 : i32
          %dma_wait3A_418 = arith.constant 0 : i32
          %dma_wait3A_419 = tpu.memref_slice %arg5[%add3A_407, %dma_wait3A_417, %dma_wait3A_418] : memref<4096x200x64xf32, #tpu.memory_space<hbm>> -> memref<1x200x64xf32, #tpu.memory_space<hbm>>
          %dma_wait3A_420 = tpu.memref_squeeze %dma_wait3A_419 : memref<1x200x64xf32, #tpu.memory_space<hbm>> -> memref<200x64xf32, #tpu.memory_space<hbm>>
          %dma_wait3A_421 = arith.constant 0 : i32
          %dma_wait3A_422 = arith.constant 0 : i32
          %dma_wait3A_423 = tpu.memref_slice %arg7[%dma_wait3A_408, %dma_wait3A_421, %dma_wait3A_422] : memref<4x200x64xf32, #tpu.memory_space<vmem>> -> memref<1x200x64xf32, #tpu.memory_space<vmem>>
          %dma_wait3A_424 = tpu.memref_squeeze %dma_wait3A_423 : memref<1x200x64xf32, #tpu.memory_space<vmem>> -> memref<200x64xf32, #tpu.memory_space<vmem>>
          tpu.wait_dma2 semaphore(%arg15 : memref<!tpu.dma_semaphore, #tpu.memory_space<semaphore_mem>>) src(%dma_wait3A_424 : memref<200x64xf32, #tpu.memory_space<vmem>>) dst(%dma_wait3A_420 : memref<200x64xf32, #tpu.memory_space<hbm>>)
        } else {
        }
        %add3A_372 = arith.constant 2 : i32
        %add3A_373 = arith.addi %add3A_102, %add3A_372 : i32
        %mul3A_374 = arith.constant 200 : i32
        %mul3A_375 = arith.muli %add3A_373, %mul3A_374 : i32
        %add3A_376 = arith.constant 0 : i32
        %add3A_377 = arith.addi %mul3A_375, %add3A_376 : i32
        %dma_start3A_378 = arith.constant 2 : i32
        %dma_start3A_379 = arith.constant 0 : i32
        %dma_start3A_380 = arith.constant 0 : i32
        %dma_start3A_381 = tpu.memref_slice %arg7[%dma_start3A_378, %dma_start3A_379, %dma_start3A_380] : memref<4x200x64xf32, #tpu.memory_space<vmem>> -> memref<1x200x64xf32, #tpu.memory_space<vmem>>
        %dma_start3A_382 = tpu.memref_squeeze %dma_start3A_381 : memref<1x200x64xf32, #tpu.memory_space<vmem>> -> memref<200x64xf32, #tpu.memory_space<vmem>>
        %dma_start3A_383 = arith.constant 0 : i32
        %dma_start3A_384 = arith.constant 0 : i32
        %dma_start3A_385 = tpu.memref_slice %dma_start3A_382[%dma_start3A_383, %dma_start3A_384] : memref<200x64xf32, #tpu.memory_space<vmem>> -> memref<128x64xf32, #tpu.memory_space<vmem>>
        %dma_start3A_386 = tpu.memref_slice %arg6[%add3A_377] : memref<25600xi32, #tpu.memory_space<vmem>> -> memref<128xi32, #tpu.memory_space<vmem>>
        %dma_start3A_387 = arith.constant 0 : i32
        %dma_start3A_388 = arith.constant 0 : i32
        %dma_start3A_389 = tpu.memref_slice %arg3[%dma_start3A_387, %dma_start3A_388] : memref<100000x64xf32, #tpu.memory_space<hbm>> -> memref<100000x64xf32, #tpu.memory_space<hbm>>
        tpu.enqueue_indirect_dma source(%dma_start3A_389 : memref<100000x64xf32, #tpu.memory_space<hbm>>) target(%dma_start3A_385 : memref<128x64xf32, #tpu.memory_space<vmem>>) offsets(%dma_start3A_386 : memref<128xi32, #tpu.memory_space<vmem>>) semaphore(%arg11 : memref<!tpu.dma_semaphore, #tpu.memory_space<semaphore_mem>>)
        %mul3A_390 = arith.constant 200 : i32
        %mul3A_391 = arith.muli %add3A_373, %mul3A_390 : i32
        %add3A_392 = arith.constant 128 : i32
        %add3A_393 = arith.addi %mul3A_391, %add3A_392 : i32
        %dma_start3A_394 = arith.constant 2 : i32
        %dma_start3A_395 = arith.constant 0 : i32
        %dma_start3A_396 = arith.constant 0 : i32
        %dma_start3A_397 = tpu.memref_slice %arg7[%dma_start3A_394, %dma_start3A_395, %dma_start3A_396] : memref<4x200x64xf32, #tpu.memory_space<vmem>> -> memref<1x200x64xf32, #tpu.memory_space<vmem>>
        %dma_start3A_398 = tpu.memref_squeeze %dma_start3A_397 : memref<1x200x64xf32, #tpu.memory_space<vmem>> -> memref<200x64xf32, #tpu.memory_space<vmem>>
        %dma_start3A_399 = arith.constant 128 : i32
        %dma_start3A_400 = arith.constant 0 : i32
        %dma_start3A_401 = tpu.memref_slice %dma_start3A_398[%dma_start3A_399, %dma_start3A_400] : memref<200x64xf32, #tpu.memory_space<vmem>> -> memref<72x64xf32, #tpu.memory_space<vmem>>
        %dma_start3A_402 = tpu.memref_slice %arg6[%add3A_393] : memref<25600xi32, #tpu.memory_space<vmem>> -> memref<72xi32, #tpu.memory_space<vmem>>
        %dma_start3A_403 = arith.constant 0 : i32
        %dma_start3A_404 = arith.constant 0 : i32
        %dma_start3A_405 = tpu.memref_slice %arg3[%dma_start3A_403, %dma_start3A_404] : memref<100000x64xf32, #tpu.memory_space<hbm>> -> memref<100000x64xf32, #tpu.memory_space<hbm>>
        tpu.enqueue_indirect_dma source(%dma_start3A_405 : memref<100000x64xf32, #tpu.memory_space<hbm>>) target(%dma_start3A_401 : memref<72x64xf32, #tpu.memory_space<vmem>>) offsets(%dma_start3A_402 : memref<72xi32, #tpu.memory_space<vmem>>) semaphore(%arg11 : memref<!tpu.dma_semaphore, #tpu.memory_space<semaphore_mem>>)
      } else {
      }
      %mul3A_107 = arith.constant 200 : i32
      %mul3A_108 = arith.muli %add3A_102, %mul3A_107 : i32
      %add3A_109 = arith.constant 0 : i32
      %add3A_110 = arith.addi %mul3A_108, %add3A_109 : i32
      %dma_wait3A_111 = arith.constant 0 : i32
      %dma_wait3A_112 = arith.constant 0 : i32
      %dma_wait3A_113 = arith.constant 0 : i32
      %dma_wait3A_114 = tpu.memref_slice %arg7[%dma_wait3A_111, %dma_wait3A_112, %dma_wait3A_113] : memref<4x200x64xf32, #tpu.memory_space<vmem>> -> memref<1x200x64xf32, #tpu.memory_space<vmem>>
      %dma_wait3A_115 = tpu.memref_squeeze %dma_wait3A_114 : memref<1x200x64xf32, #tpu.memory_space<vmem>> -> memref<200x64xf32, #tpu.memory_space<vmem>>
      %dma_wait3A_116 = arith.constant 0 : i32
      %dma_wait3A_117 = arith.constant 0 : i32
      %dma_wait3A_118 = tpu.memref_slice %dma_wait3A_115[%dma_wait3A_116, %dma_wait3A_117] : memref<200x64xf32, #tpu.memory_space<vmem>> -> memref<128x64xf32, #tpu.memory_space<vmem>>
      %dma_wait3A_119 = tpu.memref_slice %arg6[%add3A_110] : memref<25600xi32, #tpu.memory_space<vmem>> -> memref<128xi32, #tpu.memory_space<vmem>>
      %dma_wait3A_120 = arith.constant 0 : i32
      %dma_wait3A_121 = arith.constant 0 : i32
      %dma_wait3A_122 = tpu.memref_slice %arg3[%dma_wait3A_120, %dma_wait3A_121] : memref<100000x64xf32, #tpu.memory_space<hbm>> -> memref<100000x64xf32, #tpu.memory_space<hbm>>
      tpu.wait_indirect_dma semaphore(%arg9 : memref<!tpu.dma_semaphore, #tpu.memory_space<semaphore_mem>>) src(%dma_wait3A_122 : memref<100000x64xf32, #tpu.memory_space<hbm>>) dst(%dma_wait3A_118 : memref<128x64xf32, #tpu.memory_space<vmem>>)
      %mul3A_123 = arith.constant 200 : i32
      %mul3A_124 = arith.muli %add3A_102, %mul3A_123 : i32
      %add3A_125 = arith.constant 128 : i32
      %add3A_126 = arith.addi %mul3A_124, %add3A_125 : i32
      %dma_wait3A_127 = arith.constant 0 : i32
      %dma_wait3A_128 = arith.constant 0 : i32
      %dma_wait3A_129 = arith.constant 0 : i32
      %dma_wait3A_130 = tpu.memref_slice %arg7[%dma_wait3A_127, %dma_wait3A_128, %dma_wait3A_129] : memref<4x200x64xf32, #tpu.memory_space<vmem>> -> memref<1x200x64xf32, #tpu.memory_space<vmem>>
      %dma_wait3A_131 = tpu.memref_squeeze %dma_wait3A_130 : memref<1x200x64xf32, #tpu.memory_space<vmem>> -> memref<200x64xf32, #tpu.memory_space<vmem>>
      %dma_wait3A_132 = arith.constant 128 : i32
      %dma_wait3A_133 = arith.constant 0 : i32
      %dma_wait3A_134 = tpu.memref_slice %dma_wait3A_131[%dma_wait3A_132, %dma_wait3A_133] : memref<200x64xf32, #tpu.memory_space<vmem>> -> memref<72x64xf32, #tpu.memory_space<vmem>>
      %dma_wait3A_135 = tpu.memref_slice %arg6[%add3A_126] : memref<25600xi32, #tpu.memory_space<vmem>> -> memref<72xi32, #tpu.memory_space<vmem>>
      %dma_wait3A_136 = arith.constant 0 : i32
      %dma_wait3A_137 = arith.constant 0 : i32
      %dma_wait3A_138 = tpu.memref_slice %arg3[%dma_wait3A_136, %dma_wait3A_137] : memref<100000x64xf32, #tpu.memory_space<hbm>> -> memref<100000x64xf32, #tpu.memory_space<hbm>>
      tpu.wait_indirect_dma semaphore(%arg9 : memref<!tpu.dma_semaphore, #tpu.memory_space<semaphore_mem>>) src(%dma_wait3A_138 : memref<100000x64xf32, #tpu.memory_space<hbm>>) dst(%dma_wait3A_134 : memref<72x64xf32, #tpu.memory_space<vmem>>)
      %scan3A_139 = arith.constant 0 : i32
      %scan3A_140 = arith.constant 0 : i32
      %scan3A_141 = arith.constant 100 : i32
      %scan3A_142 = arith.addi %scan3A_140, %scan3A_141 : i32
      %scan3A_143 = arith.constant 1 : i32
      %scan3A_144 = scf.for %scan3A_368 = %scan3A_140 to %scan3A_142 step %scan3A_143 iter_args(%scan3A_369 = %scan3A_139) -> (i32)  : i32 {
        %mul3A_370 = arith.constant 2 : i32
        %mul3A_371 = arith.muli %scan3A_368, %mul3A_370 : i32
        %add3A_372 = arith.constant 0 : i32
        %add3A_373 = arith.addi %mul3A_371, %add3A_372 : i32
        %get3A = arith.constant 0 : i32
        %get3A_374 = arith.index_cast %get3A : i32 to index
        %get3A_375 = arith.index_cast %add3A_373 : i32 to index
        %get3A_376 = arith.constant 0 : index
        %get3A_377 = tpu.vector_load %arg7[%get3A_374, %get3A_375, %get3A_376] {strides = array<i32>} : memref<4x200x64xf32, #tpu.memory_space<vmem>>, vector<1x1x16xf32>,
        %get3A_378 = vector.shape_cast %get3A_377 : vector<1x1x16xf32> to vector<16xf32>
        %get3A_379 = arith.index_cast %add3A_373 : i32 to index
        %get3A_380 = arith.constant 0 : index
        %get3A_381 = tpu.vector_load %arg8[%get3A_379, %get3A_380] {strides = array<i32>} : memref<200x64xf32, #tpu.memory_space<vmem>>, vector<1x16xf32>,
        %get3A_382 = vector.shape_cast %get3A_381 : vector<1x16xf32> to vector<16xf32>
        %add3A_383 = arith.addf %get3A_378, %get3A_382 : vector<16xf32>
        %swap3A = arith.constant 0 : i32
        %swap3A_384 = arith.index_cast %swap3A : i32 to index
        %swap3A_385 = arith.index_cast %add3A_373 : i32 to index
        %swap3A_386 = arith.constant 0 : index
        %swap3A_387 = tpu.vector_load %arg7[%swap3A_384, %swap3A_385, %swap3A_386] {strides = array<i32>} : memref<4x200x64xf32, #tpu.memory_space<vmem>>, vector<1x1x16xf32>,
        %swap3A_388 = vector.shape_cast %swap3A_387 : vector<1x1x16xf32> to vector<16xf32>
        %swap3A_389 = vector.shape_cast %add3A_383 : vector<16xf32> to vector<1x1x16xf32>
        tpu.vector_store %arg7[%swap3A_384, %swap3A_385, %swap3A_386], %swap3A_389 {strides = array<i32>} : memref<4x200x64xf32, #tpu.memory_space<vmem>>, vector<1x1x16xf32>,
        %get3A_390 = arith.constant 0 : i32
        %get3A_391 = arith.index_cast %get3A_390 : i32 to index
        %get3A_392 = arith.index_cast %add3A_373 : i32 to index
        %get3A_393 = arith.constant 16 : index
        %get3A_394 = tpu.vector_load %arg7[%get3A_391, %get3A_392, %get3A_393] {strides = array<i32>} : memref<4x200x64xf32, #tpu.memory_space<vmem>>, vector<1x1x16xf32>,
        %get3A_395 = vector.shape_cast %get3A_394 : vector<1x1x16xf32> to vector<16xf32>
        %get3A_396 = arith.index_cast %add3A_373 : i32 to index
        %get3A_397 = arith.constant 16 : index
        %get3A_398 = tpu.vector_load %arg8[%get3A_396, %get3A_397] {strides = array<i32>} : memref<200x64xf32, #tpu.memory_space<vmem>>, vector<1x16xf32>,
        %get3A_399 = vector.shape_cast %get3A_398 : vector<1x16xf32> to vector<16xf32>
        %add3A_400 = arith.addf %get3A_395, %get3A_399 : vector<16xf32>
        %swap3A_401 = arith.constant 0 : i32
        %swap3A_402 = arith.index_cast %swap3A_401 : i32 to index
        %swap3A_403 = arith.index_cast %add3A_373 : i32 to index
        %swap3A_404 = arith.constant 16 : index
        %swap3A_405 = tpu.vector_load %arg7[%swap3A_402, %swap3A_403, %swap3A_404] {strides = array<i32>} : memref<4x200x64xf32, #tpu.memory_space<vmem>>, vector<1x1x16xf32>,
        %swap3A_406 = vector.shape_cast %swap3A_405 : vector<1x1x16xf32> to vector<16xf32>
        %swap3A_407 = vector.shape_cast %add3A_400 : vector<16xf32> to vector<1x1x16xf32>
        tpu.vector_store %arg7[%swap3A_402, %swap3A_403, %swap3A_404], %swap3A_407 {strides = array<i32>} : memref<4x200x64xf32, #tpu.memory_space<vmem>>, vector<1x1x16xf32>,
        %get3A_408 = arith.constant 0 : i32
        %get3A_409 = arith.index_cast %get3A_408 : i32 to index
        %get3A_410 = arith.index_cast %add3A_373 : i32 to index
        %get3A_411 = arith.constant 32 : index
        %get3A_412 = tpu.vector_load %arg7[%get3A_409, %get3A_410, %get3A_411] {strides = array<i32>} : memref<4x200x64xf32, #tpu.memory_space<vmem>>, vector<1x1x16xf32>,
        %get3A_413 = vector.shape_cast %get3A_412 : vector<1x1x16xf32> to vector<16xf32>
        %get3A_414 = arith.index_cast %add3A_373 : i32 to index
        %get3A_415 = arith.constant 32 : index
        %get3A_416 = tpu.vector_load %arg8[%get3A_414, %get3A_415] {strides = array<i32>} : memref<200x64xf32, #tpu.memory_space<vmem>>, vector<1x16xf32>,
        %get3A_417 = vector.shape_cast %get3A_416 : vector<1x16xf32> to vector<16xf32>
        %add3A_418 = arith.addf %get3A_413, %get3A_417 : vector<16xf32>
        %swap3A_419 = arith.constant 0 : i32
        %swap3A_420 = arith.index_cast %swap3A_419 : i32 to index
        %swap3A_421 = arith.index_cast %add3A_373 : i32 to index
        %swap3A_422 = arith.constant 32 : index
        %swap3A_423 = tpu.vector_load %arg7[%swap3A_420, %swap3A_421, %swap3A_422] {strides = array<i32>} : memref<4x200x64xf32, #tpu.memory_space<vmem>>, vector<1x1x16xf32>,
        %swap3A_424 = vector.shape_cast %swap3A_423 : vector<1x1x16xf32> to vector<16xf32>
        %swap3A_425 = vector.shape_cast %add3A_418 : vector<16xf32> to vector<1x1x16xf32>
        tpu.vector_store %arg7[%swap3A_420, %swap3A_421, %swap3A_422], %swap3A_425 {strides = array<i32>} : memref<4x200x64xf32, #tpu.memory_space<vmem>>, vector<1x1x16xf32>,
        %get3A_426 = arith.constant 0 : i32
        %get3A_427 = arith.index_cast %get3A_426 : i32 to index
        %get3A_428 = arith.index_cast %add3A_373 : i32 to index
        %get3A_429 = arith.constant 48 : index
        %get3A_430 = tpu.vector_load %arg7[%get3A_427, %get3A_428, %get3A_429] {strides = array<i32>} : memref<4x200x64xf32, #tpu.memory_space<vmem>>, vector<1x1x16xf32>,
        %get3A_431 = vector.shape_cast %get3A_430 : vector<1x1x16xf32> to vector<16xf32>
        %get3A_432 = arith.index_cast %add3A_373 : i32 to index
        %get3A_433 = arith.constant 48 : index
        %get3A_434 = tpu.vector_load %arg8[%get3A_432, %get3A_433] {strides = array<i32>} : memref<200x64xf32, #tpu.memory_space<vmem>>, vector<1x16xf32>,
        %get3A_435 = vector.shape_cast %get3A_434 : vector<1x16xf32> to vector<16xf32>
        %add3A_436 = arith.addf %get3A_431, %get3A_435 : vector<16xf32>
        %swap3A_437 = arith.constant 0 : i32
        %swap3A_438 = arith.index_cast %swap3A_437 : i32 to index
        %swap3A_439 = arith.index_cast %add3A_373 : i32 to index
        %swap3A_440 = arith.constant 48 : index
        %swap3A_441 = tpu.vector_load %arg7[%swap3A_438, %swap3A_439, %swap3A_440] {strides = array<i32>} : memref<4x200x64xf32, #tpu.memory_space<vmem>>, vector<1x1x16xf32>,
        %swap3A_442 = vector.shape_cast %swap3A_441 : vector<1x1x16xf32> to vector<16xf32>
        %swap3A_443 = vector.shape_cast %add3A_436 : vector<16xf32> to vector<1x1x16xf32>
        tpu.vector_store %arg7[%swap3A_438, %swap3A_439, %swap3A_440], %swap3A_443 {strides = array<i32>} : memref<4x200x64xf32, #tpu.memory_space<vmem>>, vector<1x1x16xf32>,
        %mul3A_444 = arith.constant 2 : i32
        %mul3A_445 = arith.muli %scan3A_368, %mul3A_444 : i32
        %add3A_446 = arith.constant 1 : i32
        %add3A_447 = arith.addi %mul3A_445, %add3A_446 : i32
        %get3A_448 = arith.constant 0 : i32
        %get3A_449 = arith.index_cast %get3A_448 : i32 to index
        %get3A_450 = arith.index_cast %add3A_447 : i32 to index
        %get3A_451 = arith.constant 0 : index
        %get3A_452 = tpu.vector_load %arg7[%get3A_449, %get3A_450, %get3A_451] {strides = array<i32>} : memref<4x200x64xf32, #tpu.memory_space<vmem>>, vector<1x1x16xf32>,
        %get3A_453 = vector.shape_cast %get3A_452 : vector<1x1x16xf32> to vector<16xf32>
        %get3A_454 = arith.index_cast %add3A_447 : i32 to index
        %get3A_455 = arith.constant 0 : index
        %get3A_456 = tpu.vector_load %arg8[%get3A_454, %get3A_455] {strides = array<i32>} : memref<200x64xf32, #tpu.memory_space<vmem>>, vector<1x16xf32>,
        %get3A_457 = vector.shape_cast %get3A_456 : vector<1x16xf32> to vector<16xf32>
        %add3A_458 = arith.addf %get3A_453, %get3A_457 : vector<16xf32>
        %swap3A_459 = arith.constant 0 : i32
        %swap3A_460 = arith.index_cast %swap3A_459 : i32 to index
        %swap3A_461 = arith.index_cast %add3A_447 : i32 to index
        %swap3A_462 = arith.constant 0 : index
        %swap3A_463 = tpu.vector_load %arg7[%swap3A_460, %swap3A_461, %swap3A_462] {strides = array<i32>} : memref<4x200x64xf32, #tpu.memory_space<vmem>>, vector<1x1x16xf32>,
        %swap3A_464 = vector.shape_cast %swap3A_463 : vector<1x1x16xf32> to vector<16xf32>
        %swap3A_465 = vector.shape_cast %add3A_458 : vector<16xf32> to vector<1x1x16xf32>
        tpu.vector_store %arg7[%swap3A_460, %swap3A_461, %swap3A_462], %swap3A_465 {strides = array<i32>} : memref<4x200x64xf32, #tpu.memory_space<vmem>>, vector<1x1x16xf32>,
        %get3A_466 = arith.constant 0 : i32
        %get3A_467 = arith.index_cast %get3A_466 : i32 to index
        %get3A_468 = arith.index_cast %add3A_447 : i32 to index
        %get3A_469 = arith.constant 16 : index
        %get3A_470 = tpu.vector_load %arg7[%get3A_467, %get3A_468, %get3A_469] {strides = array<i32>} : memref<4x200x64xf32, #tpu.memory_space<vmem>>, vector<1x1x16xf32>,
        %get3A_471 = vector.shape_cast %get3A_470 : vector<1x1x16xf32> to vector<16xf32>
        %get3A_472 = arith.index_cast %add3A_447 : i32 to index
        %get3A_473 = arith.constant 16 : index
        %get3A_474 = tpu.vector_load %arg8[%get3A_472, %get3A_473] {strides = array<i32>} : memref<200x64xf32, #tpu.memory_space<vmem>>, vector<1x16xf32>,
        %get3A_475 = vector.shape_cast %get3A_474 : vector<1x16xf32> to vector<16xf32>
        %add3A_476 = arith.addf %get3A_471, %get3A_475 : vector<16xf32>
        %swap3A_477 = arith.constant 0 : i32
        %swap3A_478 = arith.index_cast %swap3A_477 : i32 to index
        %swap3A_479 = arith.index_cast %add3A_447 : i32 to index
        %swap3A_480 = arith.constant 16 : index
        %swap3A_481 = tpu.vector_load %arg7[%swap3A_478, %swap3A_479, %swap3A_480] {strides = array<i32>} : memref<4x200x64xf32, #tpu.memory_space<vmem>>, vector<1x1x16xf32>,
        %swap3A_482 = vector.shape_cast %swap3A_481 : vector<1x1x16xf32> to vector<16xf32>
        %swap3A_483 = vector.shape_cast %add3A_476 : vector<16xf32> to vector<1x1x16xf32>
        tpu.vector_store %arg7[%swap3A_478, %swap3A_479, %swap3A_480], %swap3A_483 {strides = array<i32>} : memref<4x200x64xf32, #tpu.memory_space<vmem>>, vector<1x1x16xf32>,
        %get3A_484 = arith.constant 0 : i32
        %get3A_485 = arith.index_cast %get3A_484 : i32 to index
        %get3A_486 = arith.index_cast %add3A_447 : i32 to index
        %get3A_487 = arith.constant 32 : index
        %get3A_488 = tpu.vector_load %arg7[%get3A_485, %get3A_486, %get3A_487] {strides = array<i32>} : memref<4x200x64xf32, #tpu.memory_space<vmem>>, vector<1x1x16xf32>,
        %get3A_489 = vector.shape_cast %get3A_488 : vector<1x1x16xf32> to vector<16xf32>
        %get3A_490 = arith.index_cast %add3A_447 : i32 to index
        %get3A_491 = arith.constant 32 : index
        %get3A_492 = tpu.vector_load %arg8[%get3A_490, %get3A_491] {strides = array<i32>} : memref<200x64xf32, #tpu.memory_space<vmem>>, vector<1x16xf32>,
        %get3A_493 = vector.shape_cast %get3A_492 : vector<1x16xf32> to vector<16xf32>
        %add3A_494 = arith.addf %get3A_489, %get3A_493 : vector<16xf32>
        %swap3A_495 = arith.constant 0 : i32
        %swap3A_496 = arith.index_cast %swap3A_495 : i32 to index
        %swap3A_497 = arith.index_cast %add3A_447 : i32 to index
        %swap3A_498 = arith.constant 32 : index
        %swap3A_499 = tpu.vector_load %arg7[%swap3A_496, %swap3A_497, %swap3A_498] {strides = array<i32>} : memref<4x200x64xf32, #tpu.memory_space<vmem>>, vector<1x1x16xf32>,
        %swap3A_500 = vector.shape_cast %swap3A_499 : vector<1x1x16xf32> to vector<16xf32>
        %swap3A_501 = vector.shape_cast %add3A_494 : vector<16xf32> to vector<1x1x16xf32>
        tpu.vector_store %arg7[%swap3A_496, %swap3A_497, %swap3A_498], %swap3A_501 {strides = array<i32>} : memref<4x200x64xf32, #tpu.memory_space<vmem>>, vector<1x1x16xf32>,
        %get3A_502 = arith.constant 0 : i32
        %get3A_503 = arith.index_cast %get3A_502 : i32 to index
        %get3A_504 = arith.index_cast %add3A_447 : i32 to index
        %get3A_505 = arith.constant 48 : index
        %get3A_506 = tpu.vector_load %arg7[%get3A_503, %get3A_504, %get3A_505] {strides = array<i32>} : memref<4x200x64xf32, #tpu.memory_space<vmem>>, vector<1x1x16xf32>,
        %get3A_507 = vector.shape_cast %get3A_506 : vector<1x1x16xf32> to vector<16xf32>
        %get3A_508 = arith.index_cast %add3A_447 : i32 to index
        %get3A_509 = arith.constant 48 : index
        %get3A_510 = tpu.vector_load %arg8[%get3A_508, %get3A_509] {strides = array<i32>} : memref<200x64xf32, #tpu.memory_space<vmem>>, vector<1x16xf32>,
        %get3A_511 = vector.shape_cast %get3A_510 : vector<1x16xf32> to vector<16xf32>
        %add3A_512 = arith.addf %get3A_507, %get3A_511 : vector<16xf32>
        %swap3A_513 = arith.constant 0 : i32
        %swap3A_514 = arith.index_cast %swap3A_513 : i32 to index
        %swap3A_515 = arith.index_cast %add3A_447 : i32 to index
        %swap3A_516 = arith.constant 48 : index
        %swap3A_517 = tpu.vector_load %arg7[%swap3A_514, %swap3A_515, %swap3A_516] {strides = array<i32>} : memref<4x200x64xf32, #tpu.memory_space<vmem>>, vector<1x1x16xf32>,
        %swap3A_518 = vector.shape_cast %swap3A_517 : vector<1x1x16xf32> to vector<16xf32>
        %swap3A_519 = vector.shape_cast %add3A_512 : vector<16xf32> to vector<1x1x16xf32>
        tpu.vector_store %arg7[%swap3A_514, %swap3A_515, %swap3A_516], %swap3A_519 {strides = array<i32>} : memref<4x200x64xf32, #tpu.memory_space<vmem>>, vector<1x1x16xf32>,
        %scan3A_520 = arith.constant 0 : i32
        scf.yield %scan3A_520 : i32
      }
      %scan3A_145 = arith.constant 100 : i32
      %add3A_146 = arith.addi %mul3A_4, %add3A_102 : i32
      %dma_start3A_147 = arith.constant 0 : i32
      %dma_start3A_148 = arith.constant 0 : i32
      %dma_start3A_149 = arith.constant 0 : i32
      %dma_start3A_150 = tpu.memref_slice %arg7[%dma_start3A_147, %dma_start3A_148, %dma_start3A_149] : memref<4x200x64xf32, #tpu.memory_space<vmem>> -> memref<1x200x64xf32, #tpu.memory_space<vmem>>
      %dma_start3A_151 = tpu.memref_squeeze %dma_start3A_150 : memref<1x200x64xf32, #tpu.memory_space<vmem>> -> memref<200x64xf32, #tpu.memory_space<vmem>>
      %dma_start3A_152 = arith.constant 0 : i32
      %dma_start3A_153 = arith.constant 0 : i32
      %dma_start3A_154 = tpu.memref_slice %arg5[%add3A_146, %dma_start3A_152, %dma_start3A_153] : memref<4096x200x64xf32, #tpu.memory_space<hbm>> -> memref<1x200x64xf32, #tpu.memory_space<hbm>>
      %dma_start3A_155 = tpu.memref_squeeze %dma_start3A_154 : memref<1x200x64xf32, #tpu.memory_space<hbm>> -> memref<200x64xf32, #tpu.memory_space<hbm>>
      %dma_start3A_156 = arith.constant 0 : i32
      %dma_start3A_157 = arith.constant 0 : i32
      %dma_start3A_158 = tpu.memref_slice %arg5[%add3A_146, %dma_start3A_156, %dma_start3A_157] : memref<4096x200x64xf32, #tpu.memory_space<hbm>> -> memref<1x200x64xf32, #tpu.memory_space<hbm>>
      %dma_start3A_159 = tpu.memref_squeeze %dma_start3A_158 : memref<1x200x64xf32, #tpu.memory_space<hbm>> -> memref<200x64xf32, #tpu.memory_space<hbm>>
      %dma_start3A_160 = arith.constant 0 : i32
      %dma_start3A_161 = arith.constant 0 : i32
      %dma_start3A_162 = tpu.memref_slice %arg7[%dma_start3A_147, %dma_start3A_160, %dma_start3A_161] : memref<4x200x64xf32, #tpu.memory_space<vmem>> -> memref<1x200x64xf32, #tpu.memory_space<vmem>>
      %dma_start3A_163 = tpu.memref_squeeze %dma_start3A_162 : memref<1x200x64xf32, #tpu.memory_space<vmem>> -> memref<200x64xf32, #tpu.memory_space<vmem>>
      tpu.enqueue_dma source(%dma_start3A_163 : memref<200x64xf32, #tpu.memory_space<vmem>>) target(%dma_start3A_159 : memref<200x64xf32, #tpu.memory_space<hbm>>) target_semaphore(%arg13 : memref<!tpu.dma_semaphore, #tpu.memory_space<semaphore_mem>>)
      %mul3A_164 = arith.constant 4 : i32
      %mul3A_165 = arith.muli %scan3A_98, %mul3A_164 : i32
      %add3A_166 = arith.constant 1 : i32
      %add3A_167 = arith.addi %mul3A_165, %add3A_166 : i32
      %add3A_168 = arith.constant 2 : i32
      %add3A_169 = arith.addi %add3A_167, %add3A_168 : i32
      %lt3A_170 = arith.constant 128 : i32
      %lt3A_171 = arith.cmpi slt, %add3A_169, %lt3A_170 : i32
      %convert_element_type3A_172 = arith.extui %lt3A_171 : i1 to i32
      %cond3A_173 = arith.constant 0 : i32
      %cond3A_174 = arith.cmpi ne, %convert_element_type3A_172, %cond3A_173 : i32
      scf.if %cond3A_174 {
        %ge3A = arith.constant 2 : i32
        %ge3A_368 = arith.cmpi sge, %add3A_167, %ge3A : i32
        %convert_element_type3A_369 = arith.extui %ge3A_368 : i1 to i32
        %cond3A_370 = arith.constant 0 : i32
        %cond3A_371 = arith.cmpi ne, %convert_element_type3A_369, %cond3A_370 : i32
        scf.if %cond3A_371 {
          %sub3A = arith.constant 2 : i32
          %sub3A_406 = arith.subi %add3A_167, %sub3A : i32
          %add3A_407 = arith.addi %mul3A_4, %sub3A_406 : i32
          %dma_wait3A_408 = arith.constant 3 : i32
          %dma_wait3A_409 = arith.constant 0 : i32
          %dma_wait3A_410 = arith.constant 0 : i32
          %dma_wait3A_411 = tpu.memref_slice %arg7[%dma_wait3A_408, %dma_wait3A_409, %dma_wait3A_410] : memref<4x200x64xf32, #tpu.memory_space<vmem>> -> memref<1x200x64xf32, #tpu.memory_space<vmem>>
          %dma_wait3A_412 = tpu.memref_squeeze %dma_wait3A_411 : memref<1x200x64xf32, #tpu.memory_space<vmem>> -> memref<200x64xf32, #tpu.memory_space<vmem>>
          %dma_wait3A_413 = arith.constant 0 : i32
          %dma_wait3A_414 = arith.constant 0 : i32
          %dma_wait3A_415 = tpu.memref_slice %arg5[%add3A_407, %dma_wait3A_413, %dma_wait3A_414] : memref<4096x200x64xf32, #tpu.memory_space<hbm>> -> memref<1x200x64xf32, #tpu.memory_space<hbm>>
          %dma_wait3A_416 = tpu.memref_squeeze %dma_wait3A_415 : memref<1x200x64xf32, #tpu.memory_space<hbm>> -> memref<200x64xf32, #tpu.memory_space<hbm>>
          %dma_wait3A_417 = arith.constant 0 : i32
          %dma_wait3A_418 = arith.constant 0 : i32
          %dma_wait3A_419 = tpu.memref_slice %arg5[%add3A_407, %dma_wait3A_417, %dma_wait3A_418] : memref<4096x200x64xf32, #tpu.memory_space<hbm>> -> memref<1x200x64xf32, #tpu.memory_space<hbm>>
          %dma_wait3A_420 = tpu.memref_squeeze %dma_wait3A_419 : memref<1x200x64xf32, #tpu.memory_space<hbm>> -> memref<200x64xf32, #tpu.memory_space<hbm>>
          %dma_wait3A_421 = arith.constant 0 : i32
          %dma_wait3A_422 = arith.constant 0 : i32
          %dma_wait3A_423 = tpu.memref_slice %arg7[%dma_wait3A_408, %dma_wait3A_421, %dma_wait3A_422] : memref<4x200x64xf32, #tpu.memory_space<vmem>> -> memref<1x200x64xf32, #tpu.memory_space<vmem>>
          %dma_wait3A_424 = tpu.memref_squeeze %dma_wait3A_423 : memref<1x200x64xf32, #tpu.memory_space<vmem>> -> memref<200x64xf32, #tpu.memory_space<vmem>>
          tpu.wait_dma2 semaphore(%arg16 : memref<!tpu.dma_semaphore, #tpu.memory_space<semaphore_mem>>) src(%dma_wait3A_424 : memref<200x64xf32, #tpu.memory_space<vmem>>) dst(%dma_wait3A_420 : memref<200x64xf32, #tpu.memory_space<hbm>>)
        } else {
        }
        %add3A_372 = arith.constant 2 : i32
        %add3A_373 = arith.addi %add3A_167, %add3A_372 : i32
        %mul3A_374 = arith.constant 200 : i32
        %mul3A_375 = arith.muli %add3A_373, %mul3A_374 : i32
        %add3A_376 = arith.constant 0 : i32
        %add3A_377 = arith.addi %mul3A_375, %add3A_376 : i32
        %dma_start3A_378 = arith.constant 3 : i32
        %dma_start3A_379 = arith.constant 0 : i32
        %dma_start3A_380 = arith.constant 0 : i32
        %dma_start3A_381 = tpu.memref_slice %arg7[%dma_start3A_378, %dma_start3A_379, %dma_start3A_380] : memref<4x200x64xf32, #tpu.memory_space<vmem>> -> memref<1x200x64xf32, #tpu.memory_space<vmem>>
        %dma_start3A_382 = tpu.memref_squeeze %dma_start3A_381 : memref<1x200x64xf32, #tpu.memory_space<vmem>> -> memref<200x64xf32, #tpu.memory_space<vmem>>
        %dma_start3A_383 = arith.constant 0 : i32
        %dma_start3A_384 = arith.constant 0 : i32
        %dma_start3A_385 = tpu.memref_slice %dma_start3A_382[%dma_start3A_383, %dma_start3A_384] : memref<200x64xf32, #tpu.memory_space<vmem>> -> memref<128x64xf32, #tpu.memory_space<vmem>>
        %dma_start3A_386 = tpu.memref_slice %arg6[%add3A_377] : memref<25600xi32, #tpu.memory_space<vmem>> -> memref<128xi32, #tpu.memory_space<vmem>>
        %dma_start3A_387 = arith.constant 0 : i32
        %dma_start3A_388 = arith.constant 0 : i32
        %dma_start3A_389 = tpu.memref_slice %arg3[%dma_start3A_387, %dma_start3A_388] : memref<100000x64xf32, #tpu.memory_space<hbm>> -> memref<100000x64xf32, #tpu.memory_space<hbm>>
        tpu.enqueue_indirect_dma source(%dma_start3A_389 : memref<100000x64xf32, #tpu.memory_space<hbm>>) target(%dma_start3A_385 : memref<128x64xf32, #tpu.memory_space<vmem>>) offsets(%dma_start3A_386 : memref<128xi32, #tpu.memory_space<vmem>>) semaphore(%arg12 : memref<!tpu.dma_semaphore, #tpu.memory_space<semaphore_mem>>)
        %mul3A_390 = arith.constant 200 : i32
        %mul3A_391 = arith.muli %add3A_373, %mul3A_390 : i32
        %add3A_392 = arith.constant 128 : i32
        %add3A_393 = arith.addi %mul3A_391, %add3A_392 : i32
        %dma_start3A_394 = arith.constant 3 : i32
        %dma_start3A_395 = arith.constant 0 : i32
        %dma_start3A_396 = arith.constant 0 : i32
        %dma_start3A_397 = tpu.memref_slice %arg7[%dma_start3A_394, %dma_start3A_395, %dma_start3A_396] : memref<4x200x64xf32, #tpu.memory_space<vmem>> -> memref<1x200x64xf32, #tpu.memory_space<vmem>>
        %dma_start3A_398 = tpu.memref_squeeze %dma_start3A_397 : memref<1x200x64xf32, #tpu.memory_space<vmem>> -> memref<200x64xf32, #tpu.memory_space<vmem>>
        %dma_start3A_399 = arith.constant 128 : i32
        %dma_start3A_400 = arith.constant 0 : i32
        %dma_start3A_401 = tpu.memref_slice %dma_start3A_398[%dma_start3A_399, %dma_start3A_400] : memref<200x64xf32, #tpu.memory_space<vmem>> -> memref<72x64xf32, #tpu.memory_space<vmem>>
        %dma_start3A_402 = tpu.memref_slice %arg6[%add3A_393] : memref<25600xi32, #tpu.memory_space<vmem>> -> memref<72xi32, #tpu.memory_space<vmem>>
        %dma_start3A_403 = arith.constant 0 : i32
        %dma_start3A_404 = arith.constant 0 : i32
        %dma_start3A_405 = tpu.memref_slice %arg3[%dma_start3A_403, %dma_start3A_404] : memref<100000x64xf32, #tpu.memory_space<hbm>> -> memref<100000x64xf32, #tpu.memory_space<hbm>>
        tpu.enqueue_indirect_dma source(%dma_start3A_405 : memref<100000x64xf32, #tpu.memory_space<hbm>>) target(%dma_start3A_401 : memref<72x64xf32, #tpu.memory_space<vmem>>) offsets(%dma_start3A_402 : memref<72xi32, #tpu.memory_space<vmem>>) semaphore(%arg12 : memref<!tpu.dma_semaphore, #tpu.memory_space<semaphore_mem>>)
      } else {
      }
      %mul3A_175 = arith.constant 200 : i32
      %mul3A_176 = arith.muli %add3A_167, %mul3A_175 : i32
      %add3A_177 = arith.constant 0 : i32
      %add3A_178 = arith.addi %mul3A_176, %add3A_177 : i32
      %dma_wait3A_179 = arith.constant 1 : i32
      %dma_wait3A_180 = arith.constant 0 : i32
      %dma_wait3A_181 = arith.constant 0 : i32
      %dma_wait3A_182 = tpu.memref_slice %arg7[%dma_wait3A_179, %dma_wait3A_180, %dma_wait3A_181] : memref<4x200x64xf32, #tpu.memory_space<vmem>> -> memref<1x200x64xf32, #tpu.memory_space<vmem>>
      %dma_wait3A_183 = tpu.memref_squeeze %dma_wait3A_182 : memref<1x200x64xf32, #tpu.memory_space<vmem>> -> memref<200x64xf32, #tpu.memory_space<vmem>>
      %dma_wait3A_184 = arith.constant 0 : i32
      %dma_wait3A_185 = arith.constant 0 : i32
      %dma_wait3A_186 = tpu.memref_slice %dma_wait3A_183[%dma_wait3A_184, %dma_wait3A_185] : memref<200x64xf32, #tpu.memory_space<vmem>> -> memref<128x64xf32, #tpu.memory_space<vmem>>
      %dma_wait3A_187 = tpu.memref_slice %arg6[%add3A_178] : memref<25600xi32, #tpu.memory_space<vmem>> -> memref<128xi32, #tpu.memory_space<vmem>>
      %dma_wait3A_188 = arith.constant 0 : i32
      %dma_wait3A_189 = arith.constant 0 : i32
      %dma_wait3A_190 = tpu.memref_slice %arg3[%dma_wait3A_188, %dma_wait3A_189] : memref<100000x64xf32, #tpu.memory_space<hbm>> -> memref<100000x64xf32, #tpu.memory_space<hbm>>
      tpu.wait_indirect_dma semaphore(%arg10 : memref<!tpu.dma_semaphore, #tpu.memory_space<semaphore_mem>>) src(%dma_wait3A_190 : memref<100000x64xf32, #tpu.memory_space<hbm>>) dst(%dma_wait3A_186 : memref<128x64xf32, #tpu.memory_space<vmem>>)
      %mul3A_191 = arith.constant 200 : i32
      %mul3A_192 = arith.muli %add3A_167, %mul3A_191 : i32
      %add3A_193 = arith.constant 128 : i32
      %add3A_194 = arith.addi %mul3A_192, %add3A_193 : i32
      %dma_wait3A_195 = arith.constant 1 : i32
      %dma_wait3A_196 = arith.constant 0 : i32
      %dma_wait3A_197 = arith.constant 0 : i32
      %dma_wait3A_198 = tpu.memref_slice %arg7[%dma_wait3A_195, %dma_wait3A_196, %dma_wait3A_197] : memref<4x200x64xf32, #tpu.memory_space<vmem>> -> memref<1x200x64xf32, #tpu.memory_space<vmem>>
      %dma_wait3A_199 = tpu.memref_squeeze %dma_wait3A_198 : memref<1x200x64xf32, #tpu.memory_space<vmem>> -> memref<200x64xf32, #tpu.memory_space<vmem>>
      %dma_wait3A_200 = arith.constant 128 : i32
      %dma_wait3A_201 = arith.constant 0 : i32
      %dma_wait3A_202 = tpu.memref_slice %dma_wait3A_199[%dma_wait3A_200, %dma_wait3A_201] : memref<200x64xf32, #tpu.memory_space<vmem>> -> memref<72x64xf32, #tpu.memory_space<vmem>>
      %dma_wait3A_203 = tpu.memref_slice %arg6[%add3A_194] : memref<25600xi32, #tpu.memory_space<vmem>> -> memref<72xi32, #tpu.memory_space<vmem>>
      %dma_wait3A_204 = arith.constant 0 : i32
      %dma_wait3A_205 = arith.constant 0 : i32
      %dma_wait3A_206 = tpu.memref_slice %arg3[%dma_wait3A_204, %dma_wait3A_205] : memref<100000x64xf32, #tpu.memory_space<hbm>> -> memref<100000x64xf32, #tpu.memory_space<hbm>>
      tpu.wait_indirect_dma semaphore(%arg10 : memref<!tpu.dma_semaphore, #tpu.memory_space<semaphore_mem>>) src(%dma_wait3A_206 : memref<100000x64xf32, #tpu.memory_space<hbm>>) dst(%dma_wait3A_202 : memref<72x64xf32, #tpu.memory_space<vmem>>)
      %scan3A_207 = arith.constant 0 : i32
      %scan3A_208 = arith.constant 0 : i32
      %scan3A_209 = arith.constant 100 : i32
      %scan3A_210 = arith.addi %scan3A_208, %scan3A_209 : i32
      %scan3A_211 = arith.constant 1 : i32
      %scan3A_212 = scf.for %scan3A_368 = %scan3A_208 to %scan3A_210 step %scan3A_211 iter_args(%scan3A_369 = %scan3A_207) -> (i32)  : i32 {
        %mul3A_370 = arith.constant 2 : i32
        %mul3A_371 = arith.muli %scan3A_368, %mul3A_370 : i32
        %add3A_372 = arith.constant 0 : i32
        %add3A_373 = arith.addi %mul3A_371, %add3A_372 : i32
        %get3A = arith.constant 1 : i32
        %get3A_374 = arith.index_cast %get3A : i32 to index
        %get3A_375 = arith.index_cast %add3A_373 : i32 to index
        %get3A_376 = arith.constant 0 : index
        %get3A_377 = tpu.vector_load %arg7[%get3A_374, %get3A_375, %get3A_376] {strides = array<i32>} : memref<4x200x64xf32, #tpu.memory_space<vmem>>, vector<1x1x16xf32>,
        %get3A_378 = vector.shape_cast %get3A_377 : vector<1x1x16xf32> to vector<16xf32>
        %get3A_379 = arith.index_cast %add3A_373 : i32 to index
        %get3A_380 = arith.constant 0 : index
        %get3A_381 = tpu.vector_load %arg8[%get3A_379, %get3A_380] {strides = array<i32>} : memref<200x64xf32, #tpu.memory_space<vmem>>, vector<1x16xf32>,
        %get3A_382 = vector.shape_cast %get3A_381 : vector<1x16xf32> to vector<16xf32>
        %add3A_383 = arith.addf %get3A_378, %get3A_382 : vector<16xf32>
        %swap3A = arith.constant 1 : i32
        %swap3A_384 = arith.index_cast %swap3A : i32 to index
        %swap3A_385 = arith.index_cast %add3A_373 : i32 to index
        %swap3A_386 = arith.constant 0 : index
        %swap3A_387 = tpu.vector_load %arg7[%swap3A_384, %swap3A_385, %swap3A_386] {strides = array<i32>} : memref<4x200x64xf32, #tpu.memory_space<vmem>>, vector<1x1x16xf32>,
        %swap3A_388 = vector.shape_cast %swap3A_387 : vector<1x1x16xf32> to vector<16xf32>
        %swap3A_389 = vector.shape_cast %add3A_383 : vector<16xf32> to vector<1x1x16xf32>
        tpu.vector_store %arg7[%swap3A_384, %swap3A_385, %swap3A_386], %swap3A_389 {strides = array<i32>} : memref<4x200x64xf32, #tpu.memory_space<vmem>>, vector<1x1x16xf32>,
        %get3A_390 = arith.constant 1 : i32
        %get3A_391 = arith.index_cast %get3A_390 : i32 to index
        %get3A_392 = arith.index_cast %add3A_373 : i32 to index
        %get3A_393 = arith.constant 16 : index
        %get3A_394 = tpu.vector_load %arg7[%get3A_391, %get3A_392, %get3A_393] {strides = array<i32>} : memref<4x200x64xf32, #tpu.memory_space<vmem>>, vector<1x1x16xf32>,
        %get3A_395 = vector.shape_cast %get3A_394 : vector<1x1x16xf32> to vector<16xf32>
        %get3A_396 = arith.index_cast %add3A_373 : i32 to index
        %get3A_397 = arith.constant 16 : index
        %get3A_398 = tpu.vector_load %arg8[%get3A_396, %get3A_397] {strides = array<i32>} : memref<200x64xf32, #tpu.memory_space<vmem>>, vector<1x16xf32>,
        %get3A_399 = vector.shape_cast %get3A_398 : vector<1x16xf32> to vector<16xf32>
        %add3A_400 = arith.addf %get3A_395, %get3A_399 : vector<16xf32>
        %swap3A_401 = arith.constant 1 : i32
        %swap3A_402 = arith.index_cast %swap3A_401 : i32 to index
        %swap3A_403 = arith.index_cast %add3A_373 : i32 to index
        %swap3A_404 = arith.constant 16 : index
        %swap3A_405 = tpu.vector_load %arg7[%swap3A_402, %swap3A_403, %swap3A_404] {strides = array<i32>} : memref<4x200x64xf32, #tpu.memory_space<vmem>>, vector<1x1x16xf32>,
        %swap3A_406 = vector.shape_cast %swap3A_405 : vector<1x1x16xf32> to vector<16xf32>
        %swap3A_407 = vector.shape_cast %add3A_400 : vector<16xf32> to vector<1x1x16xf32>
        tpu.vector_store %arg7[%swap3A_402, %swap3A_403, %swap3A_404], %swap3A_407 {strides = array<i32>} : memref<4x200x64xf32, #tpu.memory_space<vmem>>, vector<1x1x16xf32>,
        %get3A_408 = arith.constant 1 : i32
        %get3A_409 = arith.index_cast %get3A_408 : i32 to index
        %get3A_410 = arith.index_cast %add3A_373 : i32 to index
        %get3A_411 = arith.constant 32 : index
        %get3A_412 = tpu.vector_load %arg7[%get3A_409, %get3A_410, %get3A_411] {strides = array<i32>} : memref<4x200x64xf32, #tpu.memory_space<vmem>>, vector<1x1x16xf32>,
        %get3A_413 = vector.shape_cast %get3A_412 : vector<1x1x16xf32> to vector<16xf32>
        %get3A_414 = arith.index_cast %add3A_373 : i32 to index
        %get3A_415 = arith.constant 32 : index
        %get3A_416 = tpu.vector_load %arg8[%get3A_414, %get3A_415] {strides = array<i32>} : memref<200x64xf32, #tpu.memory_space<vmem>>, vector<1x16xf32>,
        %get3A_417 = vector.shape_cast %get3A_416 : vector<1x16xf32> to vector<16xf32>
        %add3A_418 = arith.addf %get3A_413, %get3A_417 : vector<16xf32>
        %swap3A_419 = arith.constant 1 : i32
        %swap3A_420 = arith.index_cast %swap3A_419 : i32 to index
        %swap3A_421 = arith.index_cast %add3A_373 : i32 to index
        %swap3A_422 = arith.constant 32 : index
        %swap3A_423 = tpu.vector_load %arg7[%swap3A_420, %swap3A_421, %swap3A_422] {strides = array<i32>} : memref<4x200x64xf32, #tpu.memory_space<vmem>>, vector<1x1x16xf32>,
        %swap3A_424 = vector.shape_cast %swap3A_423 : vector<1x1x16xf32> to vector<16xf32>
        %swap3A_425 = vector.shape_cast %add3A_418 : vector<16xf32> to vector<1x1x16xf32>
        tpu.vector_store %arg7[%swap3A_420, %swap3A_421, %swap3A_422], %swap3A_425 {strides = array<i32>} : memref<4x200x64xf32, #tpu.memory_space<vmem>>, vector<1x1x16xf32>,
        %get3A_426 = arith.constant 1 : i32
        %get3A_427 = arith.index_cast %get3A_426 : i32 to index
        %get3A_428 = arith.index_cast %add3A_373 : i32 to index
        %get3A_429 = arith.constant 48 : index
        %get3A_430 = tpu.vector_load %arg7[%get3A_427, %get3A_428, %get3A_429] {strides = array<i32>} : memref<4x200x64xf32, #tpu.memory_space<vmem>>, vector<1x1x16xf32>,
        %get3A_431 = vector.shape_cast %get3A_430 : vector<1x1x16xf32> to vector<16xf32>
        %get3A_432 = arith.index_cast %add3A_373 : i32 to index
        %get3A_433 = arith.constant 48 : index
        %get3A_434 = tpu.vector_load %arg8[%get3A_432, %get3A_433] {strides = array<i32>} : memref<200x64xf32, #tpu.memory_space<vmem>>, vector<1x16xf32>,
        %get3A_435 = vector.shape_cast %get3A_434 : vector<1x16xf32> to vector<16xf32>
        %add3A_436 = arith.addf %get3A_431, %get3A_435 : vector<16xf32>
        %swap3A_437 = arith.constant 1 : i32
        %swap3A_438 = arith.index_cast %swap3A_437 : i32 to index
        %swap3A_439 = arith.index_cast %add3A_373 : i32 to index
        %swap3A_440 = arith.constant 48 : index
        %swap3A_441 = tpu.vector_load %arg7[%swap3A_438, %swap3A_439, %swap3A_440] {strides = array<i32>} : memref<4x200x64xf32, #tpu.memory_space<vmem>>, vector<1x1x16xf32>,
        %swap3A_442 = vector.shape_cast %swap3A_441 : vector<1x1x16xf32> to vector<16xf32>
        %swap3A_443 = vector.shape_cast %add3A_436 : vector<16xf32> to vector<1x1x16xf32>
        tpu.vector_store %arg7[%swap3A_438, %swap3A_439, %swap3A_440], %swap3A_443 {strides = array<i32>} : memref<4x200x64xf32, #tpu.memory_space<vmem>>, vector<1x1x16xf32>,
        %mul3A_444 = arith.constant 2 : i32
        %mul3A_445 = arith.muli %scan3A_368, %mul3A_444 : i32
        %add3A_446 = arith.constant 1 : i32
        %add3A_447 = arith.addi %mul3A_445, %add3A_446 : i32
        %get3A_448 = arith.constant 1 : i32
        %get3A_449 = arith.index_cast %get3A_448 : i32 to index
        %get3A_450 = arith.index_cast %add3A_447 : i32 to index
        %get3A_451 = arith.constant 0 : index
        %get3A_452 = tpu.vector_load %arg7[%get3A_449, %get3A_450, %get3A_451] {strides = array<i32>} : memref<4x200x64xf32, #tpu.memory_space<vmem>>, vector<1x1x16xf32>,
        %get3A_453 = vector.shape_cast %get3A_452 : vector<1x1x16xf32> to vector<16xf32>
        %get3A_454 = arith.index_cast %add3A_447 : i32 to index
        %get3A_455 = arith.constant 0 : index
        %get3A_456 = tpu.vector_load %arg8[%get3A_454, %get3A_455] {strides = array<i32>} : memref<200x64xf32, #tpu.memory_space<vmem>>, vector<1x16xf32>,
        %get3A_457 = vector.shape_cast %get3A_456 : vector<1x16xf32> to vector<16xf32>
        %add3A_458 = arith.addf %get3A_453, %get3A_457 : vector<16xf32>
        %swap3A_459 = arith.constant 1 : i32
        %swap3A_460 = arith.index_cast %swap3A_459 : i32 to index
        %swap3A_461 = arith.index_cast %add3A_447 : i32 to index
        %swap3A_462 = arith.constant 0 : index
        %swap3A_463 = tpu.vector_load %arg7[%swap3A_460, %swap3A_461, %swap3A_462] {strides = array<i32>} : memref<4x200x64xf32, #tpu.memory_space<vmem>>, vector<1x1x16xf32>,
        %swap3A_464 = vector.shape_cast %swap3A_463 : vector<1x1x16xf32> to vector<16xf32>
        %swap3A_465 = vector.shape_cast %add3A_458 : vector<16xf32> to vector<1x1x16xf32>
        tpu.vector_store %arg7[%swap3A_460, %swap3A_461, %swap3A_462], %swap3A_465 {strides = array<i32>} : memref<4x200x64xf32, #tpu.memory_space<vmem>>, vector<1x1x16xf32>,
        %get3A_466 = arith.constant 1 : i32
        %get3A_467 = arith.index_cast %get3A_466 : i32 to index
        %get3A_468 = arith.index_cast %add3A_447 : i32 to index
        %get3A_469 = arith.constant 16 : index
        %get3A_470 = tpu.vector_load %arg7[%get3A_467, %get3A_468, %get3A_469] {strides = array<i32>} : memref<4x200x64xf32, #tpu.memory_space<vmem>>, vector<1x1x16xf32>,
        %get3A_471 = vector.shape_cast %get3A_470 : vector<1x1x16xf32> to vector<16xf32>
        %get3A_472 = arith.index_cast %add3A_447 : i32 to index
        %get3A_473 = arith.constant 16 : index
        %get3A_474 = tpu.vector_load %arg8[%get3A_472, %get3A_473] {strides = array<i32>} : memref<200x64xf32, #tpu.memory_space<vmem>>, vector<1x16xf32>,
        %get3A_475 = vector.shape_cast %get3A_474 : vector<1x16xf32> to vector<16xf32>
        %add3A_476 = arith.addf %get3A_471, %get3A_475 : vector<16xf32>
        %swap3A_477 = arith.constant 1 : i32
        %swap3A_478 = arith.index_cast %swap3A_477 : i32 to index
        %swap3A_479 = arith.index_cast %add3A_447 : i32 to index
        %swap3A_480 = arith.constant 16 : index
        %swap3A_481 = tpu.vector_load %arg7[%swap3A_478, %swap3A_479, %swap3A_480] {strides = array<i32>} : memref<4x200x64xf32, #tpu.memory_space<vmem>>, vector<1x1x16xf32>,
        %swap3A_482 = vector.shape_cast %swap3A_481 : vector<1x1x16xf32> to vector<16xf32>
        %swap3A_483 = vector.shape_cast %add3A_476 : vector<16xf32> to vector<1x1x16xf32>
        tpu.vector_store %arg7[%swap3A_478, %swap3A_479, %swap3A_480], %swap3A_483 {strides = array<i32>} : memref<4x200x64xf32, #tpu.memory_space<vmem>>, vector<1x1x16xf32>,
        %get3A_484 = arith.constant 1 : i32
        %get3A_485 = arith.index_cast %get3A_484 : i32 to index
        %get3A_486 = arith.index_cast %add3A_447 : i32 to index
        %get3A_487 = arith.constant 32 : index
        %get3A_488 = tpu.vector_load %arg7[%get3A_485, %get3A_486, %get3A_487] {strides = array<i32>} : memref<4x200x64xf32, #tpu.memory_space<vmem>>, vector<1x1x16xf32>,
        %get3A_489 = vector.shape_cast %get3A_488 : vector<1x1x16xf32> to vector<16xf32>
        %get3A_490 = arith.index_cast %add3A_447 : i32 to index
        %get3A_491 = arith.constant 32 : index
        %get3A_492 = tpu.vector_load %arg8[%get3A_490, %get3A_491] {strides = array<i32>} : memref<200x64xf32, #tpu.memory_space<vmem>>, vector<1x16xf32>,
        %get3A_493 = vector.shape_cast %get3A_492 : vector<1x16xf32> to vector<16xf32>
        %add3A_494 = arith.addf %get3A_489, %get3A_493 : vector<16xf32>
        %swap3A_495 = arith.constant 1 : i32
        %swap3A_496 = arith.index_cast %swap3A_495 : i32 to index
        %swap3A_497 = arith.index_cast %add3A_447 : i32 to index
        %swap3A_498 = arith.constant 32 : index
        %swap3A_499 = tpu.vector_load %arg7[%swap3A_496, %swap3A_497, %swap3A_498] {strides = array<i32>} : memref<4x200x64xf32, #tpu.memory_space<vmem>>, vector<1x1x16xf32>,
        %swap3A_500 = vector.shape_cast %swap3A_499 : vector<1x1x16xf32> to vector<16xf32>
        %swap3A_501 = vector.shape_cast %add3A_494 : vector<16xf32> to vector<1x1x16xf32>
        tpu.vector_store %arg7[%swap3A_496, %swap3A_497, %swap3A_498], %swap3A_501 {strides = array<i32>} : memref<4x200x64xf32, #tpu.memory_space<vmem>>, vector<1x1x16xf32>,
        %get3A_502 = arith.constant 1 : i32
        %get3A_503 = arith.index_cast %get3A_502 : i32 to index
        %get3A_504 = arith.index_cast %add3A_447 : i32 to index
        %get3A_505 = arith.constant 48 : index
        %get3A_506 = tpu.vector_load %arg7[%get3A_503, %get3A_504, %get3A_505] {strides = array<i32>} : memref<4x200x64xf32, #tpu.memory_space<vmem>>, vector<1x1x16xf32>,
        %get3A_507 = vector.shape_cast %get3A_506 : vector<1x1x16xf32> to vector<16xf32>
        %get3A_508 = arith.index_cast %add3A_447 : i32 to index
        %get3A_509 = arith.constant 48 : index
        %get3A_510 = tpu.vector_load %arg8[%get3A_508, %get3A_509] {strides = array<i32>} : memref<200x64xf32, #tpu.memory_space<vmem>>, vector<1x16xf32>,
        %get3A_511 = vector.shape_cast %get3A_510 : vector<1x16xf32> to vector<16xf32>
        %add3A_512 = arith.addf %get3A_507, %get3A_511 : vector<16xf32>
        %swap3A_513 = arith.constant 1 : i32
        %swap3A_514 = arith.index_cast %swap3A_513 : i32 to index
        %swap3A_515 = arith.index_cast %add3A_447 : i32 to index
        %swap3A_516 = arith.constant 48 : index
        %swap3A_517 = tpu.vector_load %arg7[%swap3A_514, %swap3A_515, %swap3A_516] {strides = array<i32>} : memref<4x200x64xf32, #tpu.memory_space<vmem>>, vector<1x1x16xf32>,
        %swap3A_518 = vector.shape_cast %swap3A_517 : vector<1x1x16xf32> to vector<16xf32>
        %swap3A_519 = vector.shape_cast %add3A_512 : vector<16xf32> to vector<1x1x16xf32>
        tpu.vector_store %arg7[%swap3A_514, %swap3A_515, %swap3A_516], %swap3A_519 {strides = array<i32>} : memref<4x200x64xf32, #tpu.memory_space<vmem>>, vector<1x1x16xf32>,
        %scan3A_520 = arith.constant 0 : i32
        scf.yield %scan3A_520 : i32
      }
      %scan3A_213 = arith.constant 100 : i32
      %add3A_214 = arith.addi %mul3A_4, %add3A_167 : i32
      %dma_start3A_215 = arith.constant 1 : i32
      %dma_start3A_216 = arith.constant 0 : i32
      %dma_start3A_217 = arith.constant 0 : i32
      %dma_start3A_218 = tpu.memref_slice %arg7[%dma_start3A_215, %dma_start3A_216, %dma_start3A_217] : memref<4x200x64xf32, #tpu.memory_space<vmem>> -> memref<1x200x64xf32, #tpu.memory_space<vmem>>
      %dma_start3A_219 = tpu.memref_squeeze %dma_start3A_218 : memref<1x200x64xf32, #tpu.memory_space<vmem>> -> memref<200x64xf32, #tpu.memory_space<vmem>>
      %dma_start3A_220 = arith.constant 0 : i32
      %dma_start3A_221 = arith.constant 0 : i32
      %dma_start3A_222 = tpu.memref_slice %arg5[%add3A_214, %dma_start3A_220, %dma_start3A_221] : memref<4096x200x64xf32, #tpu.memory_space<hbm>> -> memref<1x200x64xf32, #tpu.memory_space<hbm>>
      %dma_start3A_223 = tpu.memref_squeeze %dma_start3A_222 : memref<1x200x64xf32, #tpu.memory_space<hbm>> -> memref<200x64xf32, #tpu.memory_space<hbm>>
      %dma_start3A_224 = arith.constant 0 : i32
      %dma_start3A_225 = arith.constant 0 : i32
      %dma_start3A_226 = tpu.memref_slice %arg5[%add3A_214, %dma_start3A_224, %dma_start3A_225] : memref<4096x200x64xf32, #tpu.memory_space<hbm>> -> memref<1x200x64xf32, #tpu.memory_space<hbm>>
      %dma_start3A_227 = tpu.memref_squeeze %dma_start3A_226 : memref<1x200x64xf32, #tpu.memory_space<hbm>> -> memref<200x64xf32, #tpu.memory_space<hbm>>
      %dma_start3A_228 = arith.constant 0 : i32
      %dma_start3A_229 = arith.constant 0 : i32
      %dma_start3A_230 = tpu.memref_slice %arg7[%dma_start3A_215, %dma_start3A_228, %dma_start3A_229] : memref<4x200x64xf32, #tpu.memory_space<vmem>> -> memref<1x200x64xf32, #tpu.memory_space<vmem>>
      %dma_start3A_231 = tpu.memref_squeeze %dma_start3A_230 : memref<1x200x64xf32, #tpu.memory_space<vmem>> -> memref<200x64xf32, #tpu.memory_space<vmem>>
      tpu.enqueue_dma source(%dma_start3A_231 : memref<200x64xf32, #tpu.memory_space<vmem>>) target(%dma_start3A_227 : memref<200x64xf32, #tpu.memory_space<hbm>>) target_semaphore(%arg14 : memref<!tpu.dma_semaphore, #tpu.memory_space<semaphore_mem>>)
      %mul3A_232 = arith.constant 4 : i32
      %mul3A_233 = arith.muli %scan3A_98, %mul3A_232 : i32
      %add3A_234 = arith.constant 2 : i32
      %add3A_235 = arith.addi %mul3A_233, %add3A_234 : i32
      %add3A_236 = arith.constant 2 : i32
      %add3A_237 = arith.addi %add3A_235, %add3A_236 : i32
      %lt3A_238 = arith.constant 128 : i32
      %lt3A_239 = arith.cmpi slt, %add3A_237, %lt3A_238 : i32
      %convert_element_type3A_240 = arith.extui %lt3A_239 : i1 to i32
      %cond3A_241 = arith.constant 0 : i32
      %cond3A_242 = arith.cmpi ne, %convert_element_type3A_240, %cond3A_241 : i32
      scf.if %cond3A_242 {
        %ge3A = arith.constant 2 : i32
        %ge3A_368 = arith.cmpi sge, %add3A_235, %ge3A : i32
        %convert_element_type3A_369 = arith.extui %ge3A_368 : i1 to i32
        %cond3A_370 = arith.constant 0 : i32
        %cond3A_371 = arith.cmpi ne, %convert_element_type3A_369, %cond3A_370 : i32
        scf.if %cond3A_371 {
          %sub3A = arith.constant 2 : i32
          %sub3A_406 = arith.subi %add3A_235, %sub3A : i32
          %add3A_407 = arith.addi %mul3A_4, %sub3A_406 : i32
          %dma_wait3A_408 = arith.constant 0 : i32
          %dma_wait3A_409 = arith.constant 0 : i32
          %dma_wait3A_410 = arith.constant 0 : i32
          %dma_wait3A_411 = tpu.memref_slice %arg7[%dma_wait3A_408, %dma_wait3A_409, %dma_wait3A_410] : memref<4x200x64xf32, #tpu.memory_space<vmem>> -> memref<1x200x64xf32, #tpu.memory_space<vmem>>
          %dma_wait3A_412 = tpu.memref_squeeze %dma_wait3A_411 : memref<1x200x64xf32, #tpu.memory_space<vmem>> -> memref<200x64xf32, #tpu.memory_space<vmem>>
          %dma_wait3A_413 = arith.constant 0 : i32
          %dma_wait3A_414 = arith.constant 0 : i32
          %dma_wait3A_415 = tpu.memref_slice %arg5[%add3A_407, %dma_wait3A_413, %dma_wait3A_414] : memref<4096x200x64xf32, #tpu.memory_space<hbm>> -> memref<1x200x64xf32, #tpu.memory_space<hbm>>
          %dma_wait3A_416 = tpu.memref_squeeze %dma_wait3A_415 : memref<1x200x64xf32, #tpu.memory_space<hbm>> -> memref<200x64xf32, #tpu.memory_space<hbm>>
          %dma_wait3A_417 = arith.constant 0 : i32
          %dma_wait3A_418 = arith.constant 0 : i32
          %dma_wait3A_419 = tpu.memref_slice %arg5[%add3A_407, %dma_wait3A_417, %dma_wait3A_418] : memref<4096x200x64xf32, #tpu.memory_space<hbm>> -> memref<1x200x64xf32, #tpu.memory_space<hbm>>
          %dma_wait3A_420 = tpu.memref_squeeze %dma_wait3A_419 : memref<1x200x64xf32, #tpu.memory_space<hbm>> -> memref<200x64xf32, #tpu.memory_space<hbm>>
          %dma_wait3A_421 = arith.constant 0 : i32
          %dma_wait3A_422 = arith.constant 0 : i32
          %dma_wait3A_423 = tpu.memref_slice %arg7[%dma_wait3A_408, %dma_wait3A_421, %dma_wait3A_422] : memref<4x200x64xf32, #tpu.memory_space<vmem>> -> memref<1x200x64xf32, #tpu.memory_space<vmem>>
          %dma_wait3A_424 = tpu.memref_squeeze %dma_wait3A_423 : memref<1x200x64xf32, #tpu.memory_space<vmem>> -> memref<200x64xf32, #tpu.memory_space<vmem>>
          tpu.wait_dma2 semaphore(%arg13 : memref<!tpu.dma_semaphore, #tpu.memory_space<semaphore_mem>>) src(%dma_wait3A_424 : memref<200x64xf32, #tpu.memory_space<vmem>>) dst(%dma_wait3A_420 : memref<200x64xf32, #tpu.memory_space<hbm>>)
        } else {
        }
        %add3A_372 = arith.constant 2 : i32
        %add3A_373 = arith.addi %add3A_235, %add3A_372 : i32
        %mul3A_374 = arith.constant 200 : i32
        %mul3A_375 = arith.muli %add3A_373, %mul3A_374 : i32
        %add3A_376 = arith.constant 0 : i32
        %add3A_377 = arith.addi %mul3A_375, %add3A_376 : i32
        %dma_start3A_378 = arith.constant 0 : i32
        %dma_start3A_379 = arith.constant 0 : i32
        %dma_start3A_380 = arith.constant 0 : i32
        %dma_start3A_381 = tpu.memref_slice %arg7[%dma_start3A_378, %dma_start3A_379, %dma_start3A_380] : memref<4x200x64xf32, #tpu.memory_space<vmem>> -> memref<1x200x64xf32, #tpu.memory_space<vmem>>
        %dma_start3A_382 = tpu.memref_squeeze %dma_start3A_381 : memref<1x200x64xf32, #tpu.memory_space<vmem>> -> memref<200x64xf32, #tpu.memory_space<vmem>>
        %dma_start3A_383 = arith.constant 0 : i32
        %dma_start3A_384 = arith.constant 0 : i32
        %dma_start3A_385 = tpu.memref_slice %dma_start3A_382[%dma_start3A_383, %dma_start3A_384] : memref<200x64xf32, #tpu.memory_space<vmem>> -> memref<128x64xf32, #tpu.memory_space<vmem>>
        %dma_start3A_386 = tpu.memref_slice %arg6[%add3A_377] : memref<25600xi32, #tpu.memory_space<vmem>> -> memref<128xi32, #tpu.memory_space<vmem>>
        %dma_start3A_387 = arith.constant 0 : i32
        %dma_start3A_388 = arith.constant 0 : i32
        %dma_start3A_389 = tpu.memref_slice %arg3[%dma_start3A_387, %dma_start3A_388] : memref<100000x64xf32, #tpu.memory_space<hbm>> -> memref<100000x64xf32, #tpu.memory_space<hbm>>
        tpu.enqueue_indirect_dma source(%dma_start3A_389 : memref<100000x64xf32, #tpu.memory_space<hbm>>) target(%dma_start3A_385 : memref<128x64xf32, #tpu.memory_space<vmem>>) offsets(%dma_start3A_386 : memref<128xi32, #tpu.memory_space<vmem>>) semaphore(%arg9 : memref<!tpu.dma_semaphore, #tpu.memory_space<semaphore_mem>>)
        %mul3A_390 = arith.constant 200 : i32
        %mul3A_391 = arith.muli %add3A_373, %mul3A_390 : i32
        %add3A_392 = arith.constant 128 : i32
        %add3A_393 = arith.addi %mul3A_391, %add3A_392 : i32
        %dma_start3A_394 = arith.constant 0 : i32
        %dma_start3A_395 = arith.constant 0 : i32
        %dma_start3A_396 = arith.constant 0 : i32
        %dma_start3A_397 = tpu.memref_slice %arg7[%dma_start3A_394, %dma_start3A_395, %dma_start3A_396] : memref<4x200x64xf32, #tpu.memory_space<vmem>> -> memref<1x200x64xf32, #tpu.memory_space<vmem>>
        %dma_start3A_398 = tpu.memref_squeeze %dma_start3A_397 : memref<1x200x64xf32, #tpu.memory_space<vmem>> -> memref<200x64xf32, #tpu.memory_space<vmem>>
        %dma_start3A_399 = arith.constant 128 : i32
        %dma_start3A_400 = arith.constant 0 : i32
        %dma_start3A_401 = tpu.memref_slice %dma_start3A_398[%dma_start3A_399, %dma_start3A_400] : memref<200x64xf32, #tpu.memory_space<vmem>> -> memref<72x64xf32, #tpu.memory_space<vmem>>
        %dma_start3A_402 = tpu.memref_slice %arg6[%add3A_393] : memref<25600xi32, #tpu.memory_space<vmem>> -> memref<72xi32, #tpu.memory_space<vmem>>
        %dma_start3A_403 = arith.constant 0 : i32
        %dma_start3A_404 = arith.constant 0 : i32
        %dma_start3A_405 = tpu.memref_slice %arg3[%dma_start3A_403, %dma_start3A_404] : memref<100000x64xf32, #tpu.memory_space<hbm>> -> memref<100000x64xf32, #tpu.memory_space<hbm>>
        tpu.enqueue_indirect_dma source(%dma_start3A_405 : memref<100000x64xf32, #tpu.memory_space<hbm>>) target(%dma_start3A_401 : memref<72x64xf32, #tpu.memory_space<vmem>>) offsets(%dma_start3A_402 : memref<72xi32, #tpu.memory_space<vmem>>) semaphore(%arg9 : memref<!tpu.dma_semaphore, #tpu.memory_space<semaphore_mem>>)
      } else {
      }
      %mul3A_243 = arith.constant 200 : i32
      %mul3A_244 = arith.muli %add3A_235, %mul3A_243 : i32
      %add3A_245 = arith.constant 0 : i32
      %add3A_246 = arith.addi %mul3A_244, %add3A_245 : i32
      %dma_wait3A_247 = arith.constant 2 : i32
      %dma_wait3A_248 = arith.constant 0 : i32
      %dma_wait3A_249 = arith.constant 0 : i32
      %dma_wait3A_250 = tpu.memref_slice %arg7[%dma_wait3A_247, %dma_wait3A_248, %dma_wait3A_249] : memref<4x200x64xf32, #tpu.memory_space<vmem>> -> memref<1x200x64xf32, #tpu.memory_space<vmem>>
      %dma_wait3A_251 = tpu.memref_squeeze %dma_wait3A_250 : memref<1x200x64xf32, #tpu.memory_space<vmem>> -> memref<200x64xf32, #tpu.memory_space<vmem>>
      %dma_wait3A_252 = arith.constant 0 : i32
      %dma_wait3A_253 = arith.constant 0 : i32
      %dma_wait3A_254 = tpu.memref_slice %dma_wait3A_251[%dma_wait3A_252, %dma_wait3A_253] : memref<200x64xf32, #tpu.memory_space<vmem>> -> memref<128x64xf32, #tpu.memory_space<vmem>>
      %dma_wait3A_255 = tpu.memref_slice %arg6[%add3A_246] : memref<25600xi32, #tpu.memory_space<vmem>> -> memref<128xi32, #tpu.memory_space<vmem>>
      %dma_wait3A_256 = arith.constant 0 : i32
      %dma_wait3A_257 = arith.constant 0 : i32
      %dma_wait3A_258 = tpu.memref_slice %arg3[%dma_wait3A_256, %dma_wait3A_257] : memref<100000x64xf32, #tpu.memory_space<hbm>> -> memref<100000x64xf32, #tpu.memory_space<hbm>>
      tpu.wait_indirect_dma semaphore(%arg11 : memref<!tpu.dma_semaphore, #tpu.memory_space<semaphore_mem>>) src(%dma_wait3A_258 : memref<100000x64xf32, #tpu.memory_space<hbm>>) dst(%dma_wait3A_254 : memref<128x64xf32, #tpu.memory_space<vmem>>)
      %mul3A_259 = arith.constant 200 : i32
      %mul3A_260 = arith.muli %add3A_235, %mul3A_259 : i32
      %add3A_261 = arith.constant 128 : i32
      %add3A_262 = arith.addi %mul3A_260, %add3A_261 : i32
      %dma_wait3A_263 = arith.constant 2 : i32
      %dma_wait3A_264 = arith.constant 0 : i32
      %dma_wait3A_265 = arith.constant 0 : i32
      %dma_wait3A_266 = tpu.memref_slice %arg7[%dma_wait3A_263, %dma_wait3A_264, %dma_wait3A_265] : memref<4x200x64xf32, #tpu.memory_space<vmem>> -> memref<1x200x64xf32, #tpu.memory_space<vmem>>
      %dma_wait3A_267 = tpu.memref_squeeze %dma_wait3A_266 : memref<1x200x64xf32, #tpu.memory_space<vmem>> -> memref<200x64xf32, #tpu.memory_space<vmem>>
      %dma_wait3A_268 = arith.constant 128 : i32
      %dma_wait3A_269 = arith.constant 0 : i32
      %dma_wait3A_270 = tpu.memref_slice %dma_wait3A_267[%dma_wait3A_268, %dma_wait3A_269] : memref<200x64xf32, #tpu.memory_space<vmem>> -> memref<72x64xf32, #tpu.memory_space<vmem>>
      %dma_wait3A_271 = tpu.memref_slice %arg6[%add3A_262] : memref<25600xi32, #tpu.memory_space<vmem>> -> memref<72xi32, #tpu.memory_space<vmem>>
      %dma_wait3A_272 = arith.constant 0 : i32
      %dma_wait3A_273 = arith.constant 0 : i32
      %dma_wait3A_274 = tpu.memref_slice %arg3[%dma_wait3A_272, %dma_wait3A_273] : memref<100000x64xf32, #tpu.memory_space<hbm>> -> memref<100000x64xf32, #tpu.memory_space<hbm>>
      tpu.wait_indirect_dma semaphore(%arg11 : memref<!tpu.dma_semaphore, #tpu.memory_space<semaphore_mem>>) src(%dma_wait3A_274 : memref<100000x64xf32, #tpu.memory_space<hbm>>) dst(%dma_wait3A_270 : memref<72x64xf32, #tpu.memory_space<vmem>>)
      %scan3A_275 = arith.constant 0 : i32
      %scan3A_276 = arith.constant 0 : i32
      %scan3A_277 = arith.constant 100 : i32
      %scan3A_278 = arith.addi %scan3A_276, %scan3A_277 : i32
      %scan3A_279 = arith.constant 1 : i32
      %scan3A_280 = scf.for %scan3A_368 = %scan3A_276 to %scan3A_278 step %scan3A_279 iter_args(%scan3A_369 = %scan3A_275) -> (i32)  : i32 {
        %mul3A_370 = arith.constant 2 : i32
        %mul3A_371 = arith.muli %scan3A_368, %mul3A_370 : i32
        %add3A_372 = arith.constant 0 : i32
        %add3A_373 = arith.addi %mul3A_371, %add3A_372 : i32
        %get3A = arith.constant 2 : i32
        %get3A_374 = arith.index_cast %get3A : i32 to index
        %get3A_375 = arith.index_cast %add3A_373 : i32 to index
        %get3A_376 = arith.constant 0 : index
        %get3A_377 = tpu.vector_load %arg7[%get3A_374, %get3A_375, %get3A_376] {strides = array<i32>} : memref<4x200x64xf32, #tpu.memory_space<vmem>>, vector<1x1x16xf32>,
        %get3A_378 = vector.shape_cast %get3A_377 : vector<1x1x16xf32> to vector<16xf32>
        %get3A_379 = arith.index_cast %add3A_373 : i32 to index
        %get3A_380 = arith.constant 0 : index
        %get3A_381 = tpu.vector_load %arg8[%get3A_379, %get3A_380] {strides = array<i32>} : memref<200x64xf32, #tpu.memory_space<vmem>>, vector<1x16xf32>,
        %get3A_382 = vector.shape_cast %get3A_381 : vector<1x16xf32> to vector<16xf32>
        %add3A_383 = arith.addf %get3A_378, %get3A_382 : vector<16xf32>
        %swap3A = arith.constant 2 : i32
        %swap3A_384 = arith.index_cast %swap3A : i32 to index
        %swap3A_385 = arith.index_cast %add3A_373 : i32 to index
        %swap3A_386 = arith.constant 0 : index
        %swap3A_387 = tpu.vector_load %arg7[%swap3A_384, %swap3A_385, %swap3A_386] {strides = array<i32>} : memref<4x200x64xf32, #tpu.memory_space<vmem>>, vector<1x1x16xf32>,
        %swap3A_388 = vector.shape_cast %swap3A_387 : vector<1x1x16xf32> to vector<16xf32>
        %swap3A_389 = vector.shape_cast %add3A_383 : vector<16xf32> to vector<1x1x16xf32>
        tpu.vector_store %arg7[%swap3A_384, %swap3A_385, %swap3A_386], %swap3A_389 {strides = array<i32>} : memref<4x200x64xf32, #tpu.memory_space<vmem>>, vector<1x1x16xf32>,
        %get3A_390 = arith.constant 2 : i32
        %get3A_391 = arith.index_cast %get3A_390 : i32 to index
        %get3A_392 = arith.index_cast %add3A_373 : i32 to index
        %get3A_393 = arith.constant 16 : index
        %get3A_394 = tpu.vector_load %arg7[%get3A_391, %get3A_392, %get3A_393] {strides = array<i32>} : memref<4x200x64xf32, #tpu.memory_space<vmem>>, vector<1x1x16xf32>,
        %get3A_395 = vector.shape_cast %get3A_394 : vector<1x1x16xf32> to vector<16xf32>
        %get3A_396 = arith.index_cast %add3A_373 : i32 to index
        %get3A_397 = arith.constant 16 : index
        %get3A_398 = tpu.vector_load %arg8[%get3A_396, %get3A_397] {strides = array<i32>} : memref<200x64xf32, #tpu.memory_space<vmem>>, vector<1x16xf32>,
        %get3A_399 = vector.shape_cast %get3A_398 : vector<1x16xf32> to vector<16xf32>
        %add3A_400 = arith.addf %get3A_395, %get3A_399 : vector<16xf32>
        %swap3A_401 = arith.constant 2 : i32
        %swap3A_402 = arith.index_cast %swap3A_401 : i32 to index
        %swap3A_403 = arith.index_cast %add3A_373 : i32 to index
        %swap3A_404 = arith.constant 16 : index
        %swap3A_405 = tpu.vector_load %arg7[%swap3A_402, %swap3A_403, %swap3A_404] {strides = array<i32>} : memref<4x200x64xf32, #tpu.memory_space<vmem>>, vector<1x1x16xf32>,
        %swap3A_406 = vector.shape_cast %swap3A_405 : vector<1x1x16xf32> to vector<16xf32>
        %swap3A_407 = vector.shape_cast %add3A_400 : vector<16xf32> to vector<1x1x16xf32>
        tpu.vector_store %arg7[%swap3A_402, %swap3A_403, %swap3A_404], %swap3A_407 {strides = array<i32>} : memref<4x200x64xf32, #tpu.memory_space<vmem>>, vector<1x1x16xf32>,
        %get3A_408 = arith.constant 2 : i32
        %get3A_409 = arith.index_cast %get3A_408 : i32 to index
        %get3A_410 = arith.index_cast %add3A_373 : i32 to index
        %get3A_411 = arith.constant 32 : index
        %get3A_412 = tpu.vector_load %arg7[%get3A_409, %get3A_410, %get3A_411] {strides = array<i32>} : memref<4x200x64xf32, #tpu.memory_space<vmem>>, vector<1x1x16xf32>,
        %get3A_413 = vector.shape_cast %get3A_412 : vector<1x1x16xf32> to vector<16xf32>
        %get3A_414 = arith.index_cast %add3A_373 : i32 to index
        %get3A_415 = arith.constant 32 : index
        %get3A_416 = tpu.vector_load %arg8[%get3A_414, %get3A_415] {strides = array<i32>} : memref<200x64xf32, #tpu.memory_space<vmem>>, vector<1x16xf32>,
        %get3A_417 = vector.shape_cast %get3A_416 : vector<1x16xf32> to vector<16xf32>
        %add3A_418 = arith.addf %get3A_413, %get3A_417 : vector<16xf32>
        %swap3A_419 = arith.constant 2 : i32
        %swap3A_420 = arith.index_cast %swap3A_419 : i32 to index
        %swap3A_421 = arith.index_cast %add3A_373 : i32 to index
        %swap3A_422 = arith.constant 32 : index
        %swap3A_423 = tpu.vector_load %arg7[%swap3A_420, %swap3A_421, %swap3A_422] {strides = array<i32>} : memref<4x200x64xf32, #tpu.memory_space<vmem>>, vector<1x1x16xf32>,
        %swap3A_424 = vector.shape_cast %swap3A_423 : vector<1x1x16xf32> to vector<16xf32>
        %swap3A_425 = vector.shape_cast %add3A_418 : vector<16xf32> to vector<1x1x16xf32>
        tpu.vector_store %arg7[%swap3A_420, %swap3A_421, %swap3A_422], %swap3A_425 {strides = array<i32>} : memref<4x200x64xf32, #tpu.memory_space<vmem>>, vector<1x1x16xf32>,
        %get3A_426 = arith.constant 2 : i32
        %get3A_427 = arith.index_cast %get3A_426 : i32 to index
        %get3A_428 = arith.index_cast %add3A_373 : i32 to index
        %get3A_429 = arith.constant 48 : index
        %get3A_430 = tpu.vector_load %arg7[%get3A_427, %get3A_428, %get3A_429] {strides = array<i32>} : memref<4x200x64xf32, #tpu.memory_space<vmem>>, vector<1x1x16xf32>,
        %get3A_431 = vector.shape_cast %get3A_430 : vector<1x1x16xf32> to vector<16xf32>
        %get3A_432 = arith.index_cast %add3A_373 : i32 to index
        %get3A_433 = arith.constant 48 : index
        %get3A_434 = tpu.vector_load %arg8[%get3A_432, %get3A_433] {strides = array<i32>} : memref<200x64xf32, #tpu.memory_space<vmem>>, vector<1x16xf32>,
        %get3A_435 = vector.shape_cast %get3A_434 : vector<1x16xf32> to vector<16xf32>
        %add3A_436 = arith.addf %get3A_431, %get3A_435 : vector<16xf32>
        %swap3A_437 = arith.constant 2 : i32
        %swap3A_438 = arith.index_cast %swap3A_437 : i32 to index
        %swap3A_439 = arith.index_cast %add3A_373 : i32 to index
        %swap3A_440 = arith.constant 48 : index
        %swap3A_441 = tpu.vector_load %arg7[%swap3A_438, %swap3A_439, %swap3A_440] {strides = array<i32>} : memref<4x200x64xf32, #tpu.memory_space<vmem>>, vector<1x1x16xf32>,
        %swap3A_442 = vector.shape_cast %swap3A_441 : vector<1x1x16xf32> to vector<16xf32>
        %swap3A_443 = vector.shape_cast %add3A_436 : vector<16xf32> to vector<1x1x16xf32>
        tpu.vector_store %arg7[%swap3A_438, %swap3A_439, %swap3A_440], %swap3A_443 {strides = array<i32>} : memref<4x200x64xf32, #tpu.memory_space<vmem>>, vector<1x1x16xf32>,
        %mul3A_444 = arith.constant 2 : i32
        %mul3A_445 = arith.muli %scan3A_368, %mul3A_444 : i32
        %add3A_446 = arith.constant 1 : i32
        %add3A_447 = arith.addi %mul3A_445, %add3A_446 : i32
        %get3A_448 = arith.constant 2 : i32
        %get3A_449 = arith.index_cast %get3A_448 : i32 to index
        %get3A_450 = arith.index_cast %add3A_447 : i32 to index
        %get3A_451 = arith.constant 0 : index
        %get3A_452 = tpu.vector_load %arg7[%get3A_449, %get3A_450, %get3A_451] {strides = array<i32>} : memref<4x200x64xf32, #tpu.memory_space<vmem>>, vector<1x1x16xf32>,
        %get3A_453 = vector.shape_cast %get3A_452 : vector<1x1x16xf32> to vector<16xf32>
        %get3A_454 = arith.index_cast %add3A_447 : i32 to index
        %get3A_455 = arith.constant 0 : index
        %get3A_456 = tpu.vector_load %arg8[%get3A_454, %get3A_455] {strides = array<i32>} : memref<200x64xf32, #tpu.memory_space<vmem>>, vector<1x16xf32>,
        %get3A_457 = vector.shape_cast %get3A_456 : vector<1x16xf32> to vector<16xf32>
        %add3A_458 = arith.addf %get3A_453, %get3A_457 : vector<16xf32>
        %swap3A_459 = arith.constant 2 : i32
        %swap3A_460 = arith.index_cast %swap3A_459 : i32 to index
        %swap3A_461 = arith.index_cast %add3A_447 : i32 to index
        %swap3A_462 = arith.constant 0 : index
        %swap3A_463 = tpu.vector_load %arg7[%swap3A_460, %swap3A_461, %swap3A_462] {strides = array<i32>} : memref<4x200x64xf32, #tpu.memory_space<vmem>>, vector<1x1x16xf32>,
        %swap3A_464 = vector.shape_cast %swap3A_463 : vector<1x1x16xf32> to vector<16xf32>
        %swap3A_465 = vector.shape_cast %add3A_458 : vector<16xf32> to vector<1x1x16xf32>
        tpu.vector_store %arg7[%swap3A_460, %swap3A_461, %swap3A_462], %swap3A_465 {strides = array<i32>} : memref<4x200x64xf32, #tpu.memory_space<vmem>>, vector<1x1x16xf32>,
        %get3A_466 = arith.constant 2 : i32
        %get3A_467 = arith.index_cast %get3A_466 : i32 to index
        %get3A_468 = arith.index_cast %add3A_447 : i32 to index
        %get3A_469 = arith.constant 16 : index
        %get3A_470 = tpu.vector_load %arg7[%get3A_467, %get3A_468, %get3A_469] {strides = array<i32>} : memref<4x200x64xf32, #tpu.memory_space<vmem>>, vector<1x1x16xf32>,
        %get3A_471 = vector.shape_cast %get3A_470 : vector<1x1x16xf32> to vector<16xf32>
        %get3A_472 = arith.index_cast %add3A_447 : i32 to index
        %get3A_473 = arith.constant 16 : index
        %get3A_474 = tpu.vector_load %arg8[%get3A_472, %get3A_473] {strides = array<i32>} : memref<200x64xf32, #tpu.memory_space<vmem>>, vector<1x16xf32>,
        %get3A_475 = vector.shape_cast %get3A_474 : vector<1x16xf32> to vector<16xf32>
        %add3A_476 = arith.addf %get3A_471, %get3A_475 : vector<16xf32>
        %swap3A_477 = arith.constant 2 : i32
        %swap3A_478 = arith.index_cast %swap3A_477 : i32 to index
        %swap3A_479 = arith.index_cast %add3A_447 : i32 to index
        %swap3A_480 = arith.constant 16 : index
        %swap3A_481 = tpu.vector_load %arg7[%swap3A_478, %swap3A_479, %swap3A_480] {strides = array<i32>} : memref<4x200x64xf32, #tpu.memory_space<vmem>>, vector<1x1x16xf32>,
        %swap3A_482 = vector.shape_cast %swap3A_481 : vector<1x1x16xf32> to vector<16xf32>
        %swap3A_483 = vector.shape_cast %add3A_476 : vector<16xf32> to vector<1x1x16xf32>
        tpu.vector_store %arg7[%swap3A_478, %swap3A_479, %swap3A_480], %swap3A_483 {strides = array<i32>} : memref<4x200x64xf32, #tpu.memory_space<vmem>>, vector<1x1x16xf32>,
        %get3A_484 = arith.constant 2 : i32
        %get3A_485 = arith.index_cast %get3A_484 : i32 to index
        %get3A_486 = arith.index_cast %add3A_447 : i32 to index
        %get3A_487 = arith.constant 32 : index
        %get3A_488 = tpu.vector_load %arg7[%get3A_485, %get3A_486, %get3A_487] {strides = array<i32>} : memref<4x200x64xf32, #tpu.memory_space<vmem>>, vector<1x1x16xf32>,
        %get3A_489 = vector.shape_cast %get3A_488 : vector<1x1x16xf32> to vector<16xf32>
        %get3A_490 = arith.index_cast %add3A_447 : i32 to index
        %get3A_491 = arith.constant 32 : index
        %get3A_492 = tpu.vector_load %arg8[%get3A_490, %get3A_491] {strides = array<i32>} : memref<200x64xf32, #tpu.memory_space<vmem>>, vector<1x16xf32>,
        %get3A_493 = vector.shape_cast %get3A_492 : vector<1x16xf32> to vector<16xf32>
        %add3A_494 = arith.addf %get3A_489, %get3A_493 : vector<16xf32>
        %swap3A_495 = arith.constant 2 : i32
        %swap3A_496 = arith.index_cast %swap3A_495 : i32 to index
        %swap3A_497 = arith.index_cast %add3A_447 : i32 to index
        %swap3A_498 = arith.constant 32 : index
        %swap3A_499 = tpu.vector_load %arg7[%swap3A_496, %swap3A_497, %swap3A_498] {strides = array<i32>} : memref<4x200x64xf32, #tpu.memory_space<vmem>>, vector<1x1x16xf32>,
        %swap3A_500 = vector.shape_cast %swap3A_499 : vector<1x1x16xf32> to vector<16xf32>
        %swap3A_501 = vector.shape_cast %add3A_494 : vector<16xf32> to vector<1x1x16xf32>
        tpu.vector_store %arg7[%swap3A_496, %swap3A_497, %swap3A_498], %swap3A_501 {strides = array<i32>} : memref<4x200x64xf32, #tpu.memory_space<vmem>>, vector<1x1x16xf32>,
        %get3A_502 = arith.constant 2 : i32
        %get3A_503 = arith.index_cast %get3A_502 : i32 to index
        %get3A_504 = arith.index_cast %add3A_447 : i32 to index
        %get3A_505 = arith.constant 48 : index
        %get3A_506 = tpu.vector_load %arg7[%get3A_503, %get3A_504, %get3A_505] {strides = array<i32>} : memref<4x200x64xf32, #tpu.memory_space<vmem>>, vector<1x1x16xf32>,
        %get3A_507 = vector.shape_cast %get3A_506 : vector<1x1x16xf32> to vector<16xf32>
        %get3A_508 = arith.index_cast %add3A_447 : i32 to index
        %get3A_509 = arith.constant 48 : index
        %get3A_510 = tpu.vector_load %arg8[%get3A_508, %get3A_509] {strides = array<i32>} : memref<200x64xf32, #tpu.memory_space<vmem>>, vector<1x16xf32>,
        %get3A_511 = vector.shape_cast %get3A_510 : vector<1x16xf32> to vector<16xf32>
        %add3A_512 = arith.addf %get3A_507, %get3A_511 : vector<16xf32>
        %swap3A_513 = arith.constant 2 : i32
        %swap3A_514 = arith.index_cast %swap3A_513 : i32 to index
        %swap3A_515 = arith.index_cast %add3A_447 : i32 to index
        %swap3A_516 = arith.constant 48 : index
        %swap3A_517 = tpu.vector_load %arg7[%swap3A_514, %swap3A_515, %swap3A_516] {strides = array<i32>} : memref<4x200x64xf32, #tpu.memory_space<vmem>>, vector<1x1x16xf32>,
        %swap3A_518 = vector.shape_cast %swap3A_517 : vector<1x1x16xf32> to vector<16xf32>
        %swap3A_519 = vector.shape_cast %add3A_512 : vector<16xf32> to vector<1x1x16xf32>
        tpu.vector_store %arg7[%swap3A_514, %swap3A_515, %swap3A_516], %swap3A_519 {strides = array<i32>} : memref<4x200x64xf32, #tpu.memory_space<vmem>>, vector<1x1x16xf32>,
        %scan3A_520 = arith.constant 0 : i32
        scf.yield %scan3A_520 : i32
      }
      %scan3A_281 = arith.constant 100 : i32
      %add3A_282 = arith.addi %mul3A_4, %add3A_235 : i32
      %dma_start3A_283 = arith.constant 2 : i32
      %dma_start3A_284 = arith.constant 0 : i32
      %dma_start3A_285 = arith.constant 0 : i32
      %dma_start3A_286 = tpu.memref_slice %arg7[%dma_start3A_283, %dma_start3A_284, %dma_start3A_285] : memref<4x200x64xf32, #tpu.memory_space<vmem>> -> memref<1x200x64xf32, #tpu.memory_space<vmem>>
      %dma_start3A_287 = tpu.memref_squeeze %dma_start3A_286 : memref<1x200x64xf32, #tpu.memory_space<vmem>> -> memref<200x64xf32, #tpu.memory_space<vmem>>
      %dma_start3A_288 = arith.constant 0 : i32
      %dma_start3A_289 = arith.constant 0 : i32
      %dma_start3A_290 = tpu.memref_slice %arg5[%add3A_282, %dma_start3A_288, %dma_start3A_289] : memref<4096x200x64xf32, #tpu.memory_space<hbm>> -> memref<1x200x64xf32, #tpu.memory_space<hbm>>
      %dma_start3A_291 = tpu.memref_squeeze %dma_start3A_290 : memref<1x200x64xf32, #tpu.memory_space<hbm>> -> memref<200x64xf32, #tpu.memory_space<hbm>>
      %dma_start3A_292 = arith.constant 0 : i32
      %dma_start3A_293 = arith.constant 0 : i32
      %dma_start3A_294 = tpu.memref_slice %arg5[%add3A_282, %dma_start3A_292, %dma_start3A_293] : memref<4096x200x64xf32, #tpu.memory_space<hbm>> -> memref<1x200x64xf32, #tpu.memory_space<hbm>>
      %dma_start3A_295 = tpu.memref_squeeze %dma_start3A_294 : memref<1x200x64xf32, #tpu.memory_space<hbm>> -> memref<200x64xf32, #tpu.memory_space<hbm>>
      %dma_start3A_296 = arith.constant 0 : i32
      %dma_start3A_297 = arith.constant 0 : i32
      %dma_start3A_298 = tpu.memref_slice %arg7[%dma_start3A_283, %dma_start3A_296, %dma_start3A_297] : memref<4x200x64xf32, #tpu.memory_space<vmem>> -> memref<1x200x64xf32, #tpu.memory_space<vmem>>
      %dma_start3A_299 = tpu.memref_squeeze %dma_start3A_298 : memref<1x200x64xf32, #tpu.memory_space<vmem>> -> memref<200x64xf32, #tpu.memory_space<vmem>>
      tpu.enqueue_dma source(%dma_start3A_299 : memref<200x64xf32, #tpu.memory_space<vmem>>) target(%dma_start3A_295 : memref<200x64xf32, #tpu.memory_space<hbm>>) target_semaphore(%arg15 : memref<!tpu.dma_semaphore, #tpu.memory_space<semaphore_mem>>)
      %mul3A_300 = arith.constant 4 : i32
      %mul3A_301 = arith.muli %scan3A_98, %mul3A_300 : i32
      %add3A_302 = arith.constant 3 : i32
      %add3A_303 = arith.addi %mul3A_301, %add3A_302 : i32
      %add3A_304 = arith.constant 2 : i32
      %add3A_305 = arith.addi %add3A_303, %add3A_304 : i32
      %lt3A_306 = arith.constant 128 : i32
      %lt3A_307 = arith.cmpi slt, %add3A_305, %lt3A_306 : i32
      %convert_element_type3A_308 = arith.extui %lt3A_307 : i1 to i32
      %cond3A_309 = arith.constant 0 : i32
      %cond3A_310 = arith.cmpi ne, %convert_element_type3A_308, %cond3A_309 : i32
      scf.if %cond3A_310 {
        %ge3A = arith.constant 2 : i32
        %ge3A_368 = arith.cmpi sge, %add3A_303, %ge3A : i32
        %convert_element_type3A_369 = arith.extui %ge3A_368 : i1 to i32
        %cond3A_370 = arith.constant 0 : i32
        %cond3A_371 = arith.cmpi ne, %convert_element_type3A_369, %cond3A_370 : i32
        scf.if %cond3A_371 {
          %sub3A = arith.constant 2 : i32
          %sub3A_406 = arith.subi %add3A_303, %sub3A : i32
          %add3A_407 = arith.addi %mul3A_4, %sub3A_406 : i32
          %dma_wait3A_408 = arith.constant 1 : i32
          %dma_wait3A_409 = arith.constant 0 : i32
          %dma_wait3A_410 = arith.constant 0 : i32
          %dma_wait3A_411 = tpu.memref_slice %arg7[%dma_wait3A_408, %dma_wait3A_409, %dma_wait3A_410] : memref<4x200x64xf32, #tpu.memory_space<vmem>> -> memref<1x200x64xf32, #tpu.memory_space<vmem>>
          %dma_wait3A_412 = tpu.memref_squeeze %dma_wait3A_411 : memref<1x200x64xf32, #tpu.memory_space<vmem>> -> memref<200x64xf32, #tpu.memory_space<vmem>>
          %dma_wait3A_413 = arith.constant 0 : i32
          %dma_wait3A_414 = arith.constant 0 : i32
          %dma_wait3A_415 = tpu.memref_slice %arg5[%add3A_407, %dma_wait3A_413, %dma_wait3A_414] : memref<4096x200x64xf32, #tpu.memory_space<hbm>> -> memref<1x200x64xf32, #tpu.memory_space<hbm>>
          %dma_wait3A_416 = tpu.memref_squeeze %dma_wait3A_415 : memref<1x200x64xf32, #tpu.memory_space<hbm>> -> memref<200x64xf32, #tpu.memory_space<hbm>>
          %dma_wait3A_417 = arith.constant 0 : i32
          %dma_wait3A_418 = arith.constant 0 : i32
          %dma_wait3A_419 = tpu.memref_slice %arg5[%add3A_407, %dma_wait3A_417, %dma_wait3A_418] : memref<4096x200x64xf32, #tpu.memory_space<hbm>> -> memref<1x200x64xf32, #tpu.memory_space<hbm>>
          %dma_wait3A_420 = tpu.memref_squeeze %dma_wait3A_419 : memref<1x200x64xf32, #tpu.memory_space<hbm>> -> memref<200x64xf32, #tpu.memory_space<hbm>>
          %dma_wait3A_421 = arith.constant 0 : i32
          %dma_wait3A_422 = arith.constant 0 : i32
          %dma_wait3A_423 = tpu.memref_slice %arg7[%dma_wait3A_408, %dma_wait3A_421, %dma_wait3A_422] : memref<4x200x64xf32, #tpu.memory_space<vmem>> -> memref<1x200x64xf32, #tpu.memory_space<vmem>>
          %dma_wait3A_424 = tpu.memref_squeeze %dma_wait3A_423 : memref<1x200x64xf32, #tpu.memory_space<vmem>> -> memref<200x64xf32, #tpu.memory_space<vmem>>
          tpu.wait_dma2 semaphore(%arg14 : memref<!tpu.dma_semaphore, #tpu.memory_space<semaphore_mem>>) src(%dma_wait3A_424 : memref<200x64xf32, #tpu.memory_space<vmem>>) dst(%dma_wait3A_420 : memref<200x64xf32, #tpu.memory_space<hbm>>)
        } else {
        }
        %add3A_372 = arith.constant 2 : i32
        %add3A_373 = arith.addi %add3A_303, %add3A_372 : i32
        %mul3A_374 = arith.constant 200 : i32
        %mul3A_375 = arith.muli %add3A_373, %mul3A_374 : i32
        %add3A_376 = arith.constant 0 : i32
        %add3A_377 = arith.addi %mul3A_375, %add3A_376 : i32
        %dma_start3A_378 = arith.constant 1 : i32
        %dma_start3A_379 = arith.constant 0 : i32
        %dma_start3A_380 = arith.constant 0 : i32
        %dma_start3A_381 = tpu.memref_slice %arg7[%dma_start3A_378, %dma_start3A_379, %dma_start3A_380] : memref<4x200x64xf32, #tpu.memory_space<vmem>> -> memref<1x200x64xf32, #tpu.memory_space<vmem>>
        %dma_start3A_382 = tpu.memref_squeeze %dma_start3A_381 : memref<1x200x64xf32, #tpu.memory_space<vmem>> -> memref<200x64xf32, #tpu.memory_space<vmem>>
        %dma_start3A_383 = arith.constant 0 : i32
        %dma_start3A_384 = arith.constant 0 : i32
        %dma_start3A_385 = tpu.memref_slice %dma_start3A_382[%dma_start3A_383, %dma_start3A_384] : memref<200x64xf32, #tpu.memory_space<vmem>> -> memref<128x64xf32, #tpu.memory_space<vmem>>
        %dma_start3A_386 = tpu.memref_slice %arg6[%add3A_377] : memref<25600xi32, #tpu.memory_space<vmem>> -> memref<128xi32, #tpu.memory_space<vmem>>
        %dma_start3A_387 = arith.constant 0 : i32
        %dma_start3A_388 = arith.constant 0 : i32
        %dma_start3A_389 = tpu.memref_slice %arg3[%dma_start3A_387, %dma_start3A_388] : memref<100000x64xf32, #tpu.memory_space<hbm>> -> memref<100000x64xf32, #tpu.memory_space<hbm>>
        tpu.enqueue_indirect_dma source(%dma_start3A_389 : memref<100000x64xf32, #tpu.memory_space<hbm>>) target(%dma_start3A_385 : memref<128x64xf32, #tpu.memory_space<vmem>>) offsets(%dma_start3A_386 : memref<128xi32, #tpu.memory_space<vmem>>) semaphore(%arg10 : memref<!tpu.dma_semaphore, #tpu.memory_space<semaphore_mem>>)
        %mul3A_390 = arith.constant 200 : i32
        %mul3A_391 = arith.muli %add3A_373, %mul3A_390 : i32
        %add3A_392 = arith.constant 128 : i32
        %add3A_393 = arith.addi %mul3A_391, %add3A_392 : i32
        %dma_start3A_394 = arith.constant 1 : i32
        %dma_start3A_395 = arith.constant 0 : i32
        %dma_start3A_396 = arith.constant 0 : i32
        %dma_start3A_397 = tpu.memref_slice %arg7[%dma_start3A_394, %dma_start3A_395, %dma_start3A_396] : memref<4x200x64xf32, #tpu.memory_space<vmem>> -> memref<1x200x64xf32, #tpu.memory_space<vmem>>
        %dma_start3A_398 = tpu.memref_squeeze %dma_start3A_397 : memref<1x200x64xf32, #tpu.memory_space<vmem>> -> memref<200x64xf32, #tpu.memory_space<vmem>>
        %dma_start3A_399 = arith.constant 128 : i32
        %dma_start3A_400 = arith.constant 0 : i32
        %dma_start3A_401 = tpu.memref_slice %dma_start3A_398[%dma_start3A_399, %dma_start3A_400] : memref<200x64xf32, #tpu.memory_space<vmem>> -> memref<72x64xf32, #tpu.memory_space<vmem>>
        %dma_start3A_402 = tpu.memref_slice %arg6[%add3A_393] : memref<25600xi32, #tpu.memory_space<vmem>> -> memref<72xi32, #tpu.memory_space<vmem>>
        %dma_start3A_403 = arith.constant 0 : i32
        %dma_start3A_404 = arith.constant 0 : i32
        %dma_start3A_405 = tpu.memref_slice %arg3[%dma_start3A_403, %dma_start3A_404] : memref<100000x64xf32, #tpu.memory_space<hbm>> -> memref<100000x64xf32, #tpu.memory_space<hbm>>
        tpu.enqueue_indirect_dma source(%dma_start3A_405 : memref<100000x64xf32, #tpu.memory_space<hbm>>) target(%dma_start3A_401 : memref<72x64xf32, #tpu.memory_space<vmem>>) offsets(%dma_start3A_402 : memref<72xi32, #tpu.memory_space<vmem>>) semaphore(%arg10 : memref<!tpu.dma_semaphore, #tpu.memory_space<semaphore_mem>>)
      } else {
      }
      %mul3A_311 = arith.constant 200 : i32
      %mul3A_312 = arith.muli %add3A_303, %mul3A_311 : i32
      %add3A_313 = arith.constant 0 : i32
      %add3A_314 = arith.addi %mul3A_312, %add3A_313 : i32
      %dma_wait3A_315 = arith.constant 3 : i32
      %dma_wait3A_316 = arith.constant 0 : i32
      %dma_wait3A_317 = arith.constant 0 : i32
      %dma_wait3A_318 = tpu.memref_slice %arg7[%dma_wait3A_315, %dma_wait3A_316, %dma_wait3A_317] : memref<4x200x64xf32, #tpu.memory_space<vmem>> -> memref<1x200x64xf32, #tpu.memory_space<vmem>>
      %dma_wait3A_319 = tpu.memref_squeeze %dma_wait3A_318 : memref<1x200x64xf32, #tpu.memory_space<vmem>> -> memref<200x64xf32, #tpu.memory_space<vmem>>
      %dma_wait3A_320 = arith.constant 0 : i32
      %dma_wait3A_321 = arith.constant 0 : i32
      %dma_wait3A_322 = tpu.memref_slice %dma_wait3A_319[%dma_wait3A_320, %dma_wait3A_321] : memref<200x64xf32, #tpu.memory_space<vmem>> -> memref<128x64xf32, #tpu.memory_space<vmem>>
      %dma_wait3A_323 = tpu.memref_slice %arg6[%add3A_314] : memref<25600xi32, #tpu.memory_space<vmem>> -> memref<128xi32, #tpu.memory_space<vmem>>
      %dma_wait3A_324 = arith.constant 0 : i32
      %dma_wait3A_325 = arith.constant 0 : i32
      %dma_wait3A_326 = tpu.memref_slice %arg3[%dma_wait3A_324, %dma_wait3A_325] : memref<100000x64xf32, #tpu.memory_space<hbm>> -> memref<100000x64xf32, #tpu.memory_space<hbm>>
      tpu.wait_indirect_dma semaphore(%arg12 : memref<!tpu.dma_semaphore, #tpu.memory_space<semaphore_mem>>) src(%dma_wait3A_326 : memref<100000x64xf32, #tpu.memory_space<hbm>>) dst(%dma_wait3A_322 : memref<128x64xf32, #tpu.memory_space<vmem>>)
      %mul3A_327 = arith.constant 200 : i32
      %mul3A_328 = arith.muli %add3A_303, %mul3A_327 : i32
      %add3A_329 = arith.constant 128 : i32
      %add3A_330 = arith.addi %mul3A_328, %add3A_329 : i32
      %dma_wait3A_331 = arith.constant 3 : i32
      %dma_wait3A_332 = arith.constant 0 : i32
      %dma_wait3A_333 = arith.constant 0 : i32
      %dma_wait3A_334 = tpu.memref_slice %arg7[%dma_wait3A_331, %dma_wait3A_332, %dma_wait3A_333] : memref<4x200x64xf32, #tpu.memory_space<vmem>> -> memref<1x200x64xf32, #tpu.memory_space<vmem>>
      %dma_wait3A_335 = tpu.memref_squeeze %dma_wait3A_334 : memref<1x200x64xf32, #tpu.memory_space<vmem>> -> memref<200x64xf32, #tpu.memory_space<vmem>>
      %dma_wait3A_336 = arith.constant 128 : i32
      %dma_wait3A_337 = arith.constant 0 : i32
      %dma_wait3A_338 = tpu.memref_slice %dma_wait3A_335[%dma_wait3A_336, %dma_wait3A_337] : memref<200x64xf32, #tpu.memory_space<vmem>> -> memref<72x64xf32, #tpu.memory_space<vmem>>
      %dma_wait3A_339 = tpu.memref_slice %arg6[%add3A_330] : memref<25600xi32, #tpu.memory_space<vmem>> -> memref<72xi32, #tpu.memory_space<vmem>>
      %dma_wait3A_340 = arith.constant 0 : i32
      %dma_wait3A_341 = arith.constant 0 : i32
      %dma_wait3A_342 = tpu.memref_slice %arg3[%dma_wait3A_340, %dma_wait3A_341] : memref<100000x64xf32, #tpu.memory_space<hbm>> -> memref<100000x64xf32, #tpu.memory_space<hbm>>
      tpu.wait_indirect_dma semaphore(%arg12 : memref<!tpu.dma_semaphore, #tpu.memory_space<semaphore_mem>>) src(%dma_wait3A_342 : memref<100000x64xf32, #tpu.memory_space<hbm>>) dst(%dma_wait3A_338 : memref<72x64xf32, #tpu.memory_space<vmem>>)
      %scan3A_343 = arith.constant 0 : i32
      %scan3A_344 = arith.constant 0 : i32
      %scan3A_345 = arith.constant 100 : i32
      %scan3A_346 = arith.addi %scan3A_344, %scan3A_345 : i32
      %scan3A_347 = arith.constant 1 : i32
      %scan3A_348 = scf.for %scan3A_368 = %scan3A_344 to %scan3A_346 step %scan3A_347 iter_args(%scan3A_369 = %scan3A_343) -> (i32)  : i32 {
        %mul3A_370 = arith.constant 2 : i32
        %mul3A_371 = arith.muli %scan3A_368, %mul3A_370 : i32
        %add3A_372 = arith.constant 0 : i32
        %add3A_373 = arith.addi %mul3A_371, %add3A_372 : i32
        %get3A = arith.constant 3 : i32
        %get3A_374 = arith.index_cast %get3A : i32 to index
        %get3A_375 = arith.index_cast %add3A_373 : i32 to index
        %get3A_376 = arith.constant 0 : index
        %get3A_377 = tpu.vector_load %arg7[%get3A_374, %get3A_375, %get3A_376] {strides = array<i32>} : memref<4x200x64xf32, #tpu.memory_space<vmem>>, vector<1x1x16xf32>,
        %get3A_378 = vector.shape_cast %get3A_377 : vector<1x1x16xf32> to vector<16xf32>
        %get3A_379 = arith.index_cast %add3A_373 : i32 to index
        %get3A_380 = arith.constant 0 : index
        %get3A_381 = tpu.vector_load %arg8[%get3A_379, %get3A_380] {strides = array<i32>} : memref<200x64xf32, #tpu.memory_space<vmem>>, vector<1x16xf32>,
        %get3A_382 = vector.shape_cast %get3A_381 : vector<1x16xf32> to vector<16xf32>
        %add3A_383 = arith.addf %get3A_378, %get3A_382 : vector<16xf32>
        %swap3A = arith.constant 3 : i32
        %swap3A_384 = arith.index_cast %swap3A : i32 to index
        %swap3A_385 = arith.index_cast %add3A_373 : i32 to index
        %swap3A_386 = arith.constant 0 : index
        %swap3A_387 = tpu.vector_load %arg7[%swap3A_384, %swap3A_385, %swap3A_386] {strides = array<i32>} : memref<4x200x64xf32, #tpu.memory_space<vmem>>, vector<1x1x16xf32>,
        %swap3A_388 = vector.shape_cast %swap3A_387 : vector<1x1x16xf32> to vector<16xf32>
        %swap3A_389 = vector.shape_cast %add3A_383 : vector<16xf32> to vector<1x1x16xf32>
        tpu.vector_store %arg7[%swap3A_384, %swap3A_385, %swap3A_386], %swap3A_389 {strides = array<i32>} : memref<4x200x64xf32, #tpu.memory_space<vmem>>, vector<1x1x16xf32>,
        %get3A_390 = arith.constant 3 : i32
        %get3A_391 = arith.index_cast %get3A_390 : i32 to index
        %get3A_392 = arith.index_cast %add3A_373 : i32 to index
        %get3A_393 = arith.constant 16 : index
        %get3A_394 = tpu.vector_load %arg7[%get3A_391, %get3A_392, %get3A_393] {strides = array<i32>} : memref<4x200x64xf32, #tpu.memory_space<vmem>>, vector<1x1x16xf32>,
        %get3A_395 = vector.shape_cast %get3A_394 : vector<1x1x16xf32> to vector<16xf32>
        %get3A_396 = arith.index_cast %add3A_373 : i32 to index
        %get3A_397 = arith.constant 16 : index
        %get3A_398 = tpu.vector_load %arg8[%get3A_396, %get3A_397] {strides = array<i32>} : memref<200x64xf32, #tpu.memory_space<vmem>>, vector<1x16xf32>,
        %get3A_399 = vector.shape_cast %get3A_398 : vector<1x16xf32> to vector<16xf32>
        %add3A_400 = arith.addf %get3A_395, %get3A_399 : vector<16xf32>
        %swap3A_401 = arith.constant 3 : i32
        %swap3A_402 = arith.index_cast %swap3A_401 : i32 to index
        %swap3A_403 = arith.index_cast %add3A_373 : i32 to index
        %swap3A_404 = arith.constant 16 : index
        %swap3A_405 = tpu.vector_load %arg7[%swap3A_402, %swap3A_403, %swap3A_404] {strides = array<i32>} : memref<4x200x64xf32, #tpu.memory_space<vmem>>, vector<1x1x16xf32>,
        %swap3A_406 = vector.shape_cast %swap3A_405 : vector<1x1x16xf32> to vector<16xf32>
        %swap3A_407 = vector.shape_cast %add3A_400 : vector<16xf32> to vector<1x1x16xf32>
        tpu.vector_store %arg7[%swap3A_402, %swap3A_403, %swap3A_404], %swap3A_407 {strides = array<i32>} : memref<4x200x64xf32, #tpu.memory_space<vmem>>, vector<1x1x16xf32>,
        %get3A_408 = arith.constant 3 : i32
        %get3A_409 = arith.index_cast %get3A_408 : i32 to index
        %get3A_410 = arith.index_cast %add3A_373 : i32 to index
        %get3A_411 = arith.constant 32 : index
        %get3A_412 = tpu.vector_load %arg7[%get3A_409, %get3A_410, %get3A_411] {strides = array<i32>} : memref<4x200x64xf32, #tpu.memory_space<vmem>>, vector<1x1x16xf32>,
        %get3A_413 = vector.shape_cast %get3A_412 : vector<1x1x16xf32> to vector<16xf32>
        %get3A_414 = arith.index_cast %add3A_373 : i32 to index
        %get3A_415 = arith.constant 32 : index
        %get3A_416 = tpu.vector_load %arg8[%get3A_414, %get3A_415] {strides = array<i32>} : memref<200x64xf32, #tpu.memory_space<vmem>>, vector<1x16xf32>,
        %get3A_417 = vector.shape_cast %get3A_416 : vector<1x16xf32> to vector<16xf32>
        %add3A_418 = arith.addf %get3A_413, %get3A_417 : vector<16xf32>
        %swap3A_419 = arith.constant 3 : i32
        %swap3A_420 = arith.index_cast %swap3A_419 : i32 to index
        %swap3A_421 = arith.index_cast %add3A_373 : i32 to index
        %swap3A_422 = arith.constant 32 : index
        %swap3A_423 = tpu.vector_load %arg7[%swap3A_420, %swap3A_421, %swap3A_422] {strides = array<i32>} : memref<4x200x64xf32, #tpu.memory_space<vmem>>, vector<1x1x16xf32>,
        %swap3A_424 = vector.shape_cast %swap3A_423 : vector<1x1x16xf32> to vector<16xf32>
        %swap3A_425 = vector.shape_cast %add3A_418 : vector<16xf32> to vector<1x1x16xf32>
        tpu.vector_store %arg7[%swap3A_420, %swap3A_421, %swap3A_422], %swap3A_425 {strides = array<i32>} : memref<4x200x64xf32, #tpu.memory_space<vmem>>, vector<1x1x16xf32>,
        %get3A_426 = arith.constant 3 : i32
        %get3A_427 = arith.index_cast %get3A_426 : i32 to index
        %get3A_428 = arith.index_cast %add3A_373 : i32 to index
        %get3A_429 = arith.constant 48 : index
        %get3A_430 = tpu.vector_load %arg7[%get3A_427, %get3A_428, %get3A_429] {strides = array<i32>} : memref<4x200x64xf32, #tpu.memory_space<vmem>>, vector<1x1x16xf32>,
        %get3A_431 = vector.shape_cast %get3A_430 : vector<1x1x16xf32> to vector<16xf32>
        %get3A_432 = arith.index_cast %add3A_373 : i32 to index
        %get3A_433 = arith.constant 48 : index
        %get3A_434 = tpu.vector_load %arg8[%get3A_432, %get3A_433] {strides = array<i32>} : memref<200x64xf32, #tpu.memory_space<vmem>>, vector<1x16xf32>,
        %get3A_435 = vector.shape_cast %get3A_434 : vector<1x16xf32> to vector<16xf32>
        %add3A_436 = arith.addf %get3A_431, %get3A_435 : vector<16xf32>
        %swap3A_437 = arith.constant 3 : i32
        %swap3A_438 = arith.index_cast %swap3A_437 : i32 to index
        %swap3A_439 = arith.index_cast %add3A_373 : i32 to index
        %swap3A_440 = arith.constant 48 : index
        %swap3A_441 = tpu.vector_load %arg7[%swap3A_438, %swap3A_439, %swap3A_440] {strides = array<i32>} : memref<4x200x64xf32, #tpu.memory_space<vmem>>, vector<1x1x16xf32>,
        %swap3A_442 = vector.shape_cast %swap3A_441 : vector<1x1x16xf32> to vector<16xf32>
        %swap3A_443 = vector.shape_cast %add3A_436 : vector<16xf32> to vector<1x1x16xf32>
        tpu.vector_store %arg7[%swap3A_438, %swap3A_439, %swap3A_440], %swap3A_443 {strides = array<i32>} : memref<4x200x64xf32, #tpu.memory_space<vmem>>, vector<1x1x16xf32>,
        %mul3A_444 = arith.constant 2 : i32
        %mul3A_445 = arith.muli %scan3A_368, %mul3A_444 : i32
        %add3A_446 = arith.constant 1 : i32
        %add3A_447 = arith.addi %mul3A_445, %add3A_446 : i32
        %get3A_448 = arith.constant 3 : i32
        %get3A_449 = arith.index_cast %get3A_448 : i32 to index
        %get3A_450 = arith.index_cast %add3A_447 : i32 to index
        %get3A_451 = arith.constant 0 : index
        %get3A_452 = tpu.vector_load %arg7[%get3A_449, %get3A_450, %get3A_451] {strides = array<i32>} : memref<4x200x64xf32, #tpu.memory_space<vmem>>, vector<1x1x16xf32>,
        %get3A_453 = vector.shape_cast %get3A_452 : vector<1x1x16xf32> to vector<16xf32>
        %get3A_454 = arith.index_cast %add3A_447 : i32 to index
        %get3A_455 = arith.constant 0 : index
        %get3A_456 = tpu.vector_load %arg8[%get3A_454, %get3A_455] {strides = array<i32>} : memref<200x64xf32, #tpu.memory_space<vmem>>, vector<1x16xf32>,
        %get3A_457 = vector.shape_cast %get3A_456 : vector<1x16xf32> to vector<16xf32>
        %add3A_458 = arith.addf %get3A_453, %get3A_457 : vector<16xf32>
        %swap3A_459 = arith.constant 3 : i32
        %swap3A_460 = arith.index_cast %swap3A_459 : i32 to index
        %swap3A_461 = arith.index_cast %add3A_447 : i32 to index
        %swap3A_462 = arith.constant 0 : index
        %swap3A_463 = tpu.vector_load %arg7[%swap3A_460, %swap3A_461, %swap3A_462] {strides = array<i32>} : memref<4x200x64xf32, #tpu.memory_space<vmem>>, vector<1x1x16xf32>,
        %swap3A_464 = vector.shape_cast %swap3A_463 : vector<1x1x16xf32> to vector<16xf32>
        %swap3A_465 = vector.shape_cast %add3A_458 : vector<16xf32> to vector<1x1x16xf32>
        tpu.vector_store %arg7[%swap3A_460, %swap3A_461, %swap3A_462], %swap3A_465 {strides = array<i32>} : memref<4x200x64xf32, #tpu.memory_space<vmem>>, vector<1x1x16xf32>,
        %get3A_466 = arith.constant 3 : i32
        %get3A_467 = arith.index_cast %get3A_466 : i32 to index
        %get3A_468 = arith.index_cast %add3A_447 : i32 to index
        %get3A_469 = arith.constant 16 : index
        %get3A_470 = tpu.vector_load %arg7[%get3A_467, %get3A_468, %get3A_469] {strides = array<i32>} : memref<4x200x64xf32, #tpu.memory_space<vmem>>, vector<1x1x16xf32>,
        %get3A_471 = vector.shape_cast %get3A_470 : vector<1x1x16xf32> to vector<16xf32>
        %get3A_472 = arith.index_cast %add3A_447 : i32 to index
        %get3A_473 = arith.constant 16 : index
        %get3A_474 = tpu.vector_load %arg8[%get3A_472, %get3A_473] {strides = array<i32>} : memref<200x64xf32, #tpu.memory_space<vmem>>, vector<1x16xf32>,
        %get3A_475 = vector.shape_cast %get3A_474 : vector<1x16xf32> to vector<16xf32>
        %add3A_476 = arith.addf %get3A_471, %get3A_475 : vector<16xf32>
        %swap3A_477 = arith.constant 3 : i32
        %swap3A_478 = arith.index_cast %swap3A_477 : i32 to index
        %swap3A_479 = arith.index_cast %add3A_447 : i32 to index
        %swap3A_480 = arith.constant 16 : index
        %swap3A_481 = tpu.vector_load %arg7[%swap3A_478, %swap3A_479, %swap3A_480] {strides = array<i32>} : memref<4x200x64xf32, #tpu.memory_space<vmem>>, vector<1x1x16xf32>,
        %swap3A_482 = vector.shape_cast %swap3A_481 : vector<1x1x16xf32> to vector<16xf32>
        %swap3A_483 = vector.shape_cast %add3A_476 : vector<16xf32> to vector<1x1x16xf32>
        tpu.vector_store %arg7[%swap3A_478, %swap3A_479, %swap3A_480], %swap3A_483 {strides = array<i32>} : memref<4x200x64xf32, #tpu.memory_space<vmem>>, vector<1x1x16xf32>,
        %get3A_484 = arith.constant 3 : i32
        %get3A_485 = arith.index_cast %get3A_484 : i32 to index
        %get3A_486 = arith.index_cast %add3A_447 : i32 to index
        %get3A_487 = arith.constant 32 : index
        %get3A_488 = tpu.vector_load %arg7[%get3A_485, %get3A_486, %get3A_487] {strides = array<i32>} : memref<4x200x64xf32, #tpu.memory_space<vmem>>, vector<1x1x16xf32>,
        %get3A_489 = vector.shape_cast %get3A_488 : vector<1x1x16xf32> to vector<16xf32>
        %get3A_490 = arith.index_cast %add3A_447 : i32 to index
        %get3A_491 = arith.constant 32 : index
        %get3A_492 = tpu.vector_load %arg8[%get3A_490, %get3A_491] {strides = array<i32>} : memref<200x64xf32, #tpu.memory_space<vmem>>, vector<1x16xf32>,
        %get3A_493 = vector.shape_cast %get3A_492 : vector<1x16xf32> to vector<16xf32>
        %add3A_494 = arith.addf %get3A_489, %get3A_493 : vector<16xf32>
        %swap3A_495 = arith.constant 3 : i32
        %swap3A_496 = arith.index_cast %swap3A_495 : i32 to index
        %swap3A_497 = arith.index_cast %add3A_447 : i32 to index
        %swap3A_498 = arith.constant 32 : index
        %swap3A_499 = tpu.vector_load %arg7[%swap3A_496, %swap3A_497, %swap3A_498] {strides = array<i32>} : memref<4x200x64xf32, #tpu.memory_space<vmem>>, vector<1x1x16xf32>,
        %swap3A_500 = vector.shape_cast %swap3A_499 : vector<1x1x16xf32> to vector<16xf32>
        %swap3A_501 = vector.shape_cast %add3A_494 : vector<16xf32> to vector<1x1x16xf32>
        tpu.vector_store %arg7[%swap3A_496, %swap3A_497, %swap3A_498], %swap3A_501 {strides = array<i32>} : memref<4x200x64xf32, #tpu.memory_space<vmem>>, vector<1x1x16xf32>,
        %get3A_502 = arith.constant 3 : i32
        %get3A_503 = arith.index_cast %get3A_502 : i32 to index
        %get3A_504 = arith.index_cast %add3A_447 : i32 to index
        %get3A_505 = arith.constant 48 : index
        %get3A_506 = tpu.vector_load %arg7[%get3A_503, %get3A_504, %get3A_505] {strides = array<i32>} : memref<4x200x64xf32, #tpu.memory_space<vmem>>, vector<1x1x16xf32>,
        %get3A_507 = vector.shape_cast %get3A_506 : vector<1x1x16xf32> to vector<16xf32>
        %get3A_508 = arith.index_cast %add3A_447 : i32 to index
        %get3A_509 = arith.constant 48 : index
        %get3A_510 = tpu.vector_load %arg8[%get3A_508, %get3A_509] {strides = array<i32>} : memref<200x64xf32, #tpu.memory_space<vmem>>, vector<1x16xf32>,
        %get3A_511 = vector.shape_cast %get3A_510 : vector<1x16xf32> to vector<16xf32>
        %add3A_512 = arith.addf %get3A_507, %get3A_511 : vector<16xf32>
        %swap3A_513 = arith.constant 3 : i32
        %swap3A_514 = arith.index_cast %swap3A_513 : i32 to index
        %swap3A_515 = arith.index_cast %add3A_447 : i32 to index
        %swap3A_516 = arith.constant 48 : index
        %swap3A_517 = tpu.vector_load %arg7[%swap3A_514, %swap3A_515, %swap3A_516] {strides = array<i32>} : memref<4x200x64xf32, #tpu.memory_space<vmem>>, vector<1x1x16xf32>,
        %swap3A_518 = vector.shape_cast %swap3A_517 : vector<1x1x16xf32> to vector<16xf32>
        %swap3A_519 = vector.shape_cast %add3A_512 : vector<16xf32> to vector<1x1x16xf32>
        tpu.vector_store %arg7[%swap3A_514, %swap3A_515, %swap3A_516], %swap3A_519 {strides = array<i32>} : memref<4x200x64xf32, #tpu.memory_space<vmem>>, vector<1x1x16xf32>,
        %scan3A_520 = arith.constant 0 : i32
        scf.yield %scan3A_520 : i32
      }
      %scan3A_349 = arith.constant 100 : i32
      %add3A_350 = arith.addi %mul3A_4, %add3A_303 : i32
      %dma_start3A_351 = arith.constant 3 : i32
      %dma_start3A_352 = arith.constant 0 : i32
      %dma_start3A_353 = arith.constant 0 : i32
      %dma_start3A_354 = tpu.memref_slice %arg7[%dma_start3A_351, %dma_start3A_352, %dma_start3A_353] : memref<4x200x64xf32, #tpu.memory_space<vmem>> -> memref<1x200x64xf32, #tpu.memory_space<vmem>>
      %dma_start3A_355 = tpu.memref_squeeze %dma_start3A_354 : memref<1x200x64xf32, #tpu.memory_space<vmem>> -> memref<200x64xf32, #tpu.memory_space<vmem>>
      %dma_start3A_356 = arith.constant 0 : i32
      %dma_start3A_357 = arith.constant 0 : i32
      %dma_start3A_358 = tpu.memref_slice %arg5[%add3A_350, %dma_start3A_356, %dma_start3A_357] : memref<4096x200x64xf32, #tpu.memory_space<hbm>> -> memref<1x200x64xf32, #tpu.memory_space<hbm>>
      %dma_start3A_359 = tpu.memref_squeeze %dma_start3A_358 : memref<1x200x64xf32, #tpu.memory_space<hbm>> -> memref<200x64xf32, #tpu.memory_space<hbm>>
      %dma_start3A_360 = arith.constant 0 : i32
      %dma_start3A_361 = arith.constant 0 : i32
      %dma_start3A_362 = tpu.memref_slice %arg5[%add3A_350, %dma_start3A_360, %dma_start3A_361] : memref<4096x200x64xf32, #tpu.memory_space<hbm>> -> memref<1x200x64xf32, #tpu.memory_space<hbm>>
      %dma_start3A_363 = tpu.memref_squeeze %dma_start3A_362 : memref<1x200x64xf32, #tpu.memory_space<hbm>> -> memref<200x64xf32, #tpu.memory_space<hbm>>
      %dma_start3A_364 = arith.constant 0 : i32
      %dma_start3A_365 = arith.constant 0 : i32
      %dma_start3A_366 = tpu.memref_slice %arg7[%dma_start3A_351, %dma_start3A_364, %dma_start3A_365] : memref<4x200x64xf32, #tpu.memory_space<vmem>> -> memref<1x200x64xf32, #tpu.memory_space<vmem>>
      %dma_start3A_367 = tpu.memref_squeeze %dma_start3A_366 : memref<1x200x64xf32, #tpu.memory_space<vmem>> -> memref<200x64xf32, #tpu.memory_space<vmem>>
      tpu.enqueue_dma source(%dma_start3A_367 : memref<200x64xf32, #tpu.memory_space<vmem>>) target(%dma_start3A_363 : memref<200x64xf32, #tpu.memory_space<hbm>>) target_semaphore(%arg16 : memref<!tpu.dma_semaphore, #tpu.memory_space<semaphore_mem>>)
    }
    %scan3A_60 = arith.constant 32 : i32
    %add3A_61 = arith.constant 126 : i32
    %add3A_62 = arith.addi %mul3A_4, %add3A_61 : i32
    %dma_wait3A = arith.constant 2 : i32
    %dma_wait3A_63 = arith.constant 0 : i32
    %dma_wait3A_64 = arith.constant 0 : i32
    %dma_wait3A_65 = tpu.memref_slice %arg7[%dma_wait3A, %dma_wait3A_63, %dma_wait3A_64] : memref<4x200x64xf32, #tpu.memory_space<vmem>> -> memref<1x200x64xf32, #tpu.memory_space<vmem>>
    %dma_wait3A_66 = tpu.memref_squeeze %dma_wait3A_65 : memref<1x200x64xf32, #tpu.memory_space<vmem>> -> memref<200x64xf32, #tpu.memory_space<vmem>>
    %dma_wait3A_67 = arith.constant 0 : i32
    %dma_wait3A_68 = arith.constant 0 : i32
    %dma_wait3A_69 = tpu.memref_slice %arg5[%add3A_62, %dma_wait3A_67, %dma_wait3A_68] : memref<4096x200x64xf32, #tpu.memory_space<hbm>> -> memref<1x200x64xf32, #tpu.memory_space<hbm>>
    %dma_wait3A_70 = tpu.memref_squeeze %dma_wait3A_69 : memref<1x200x64xf32, #tpu.memory_space<hbm>> -> memref<200x64xf32, #tpu.memory_space<hbm>>
    %dma_wait3A_71 = arith.constant 0 : i32
    %dma_wait3A_72 = arith.constant 0 : i32
    %dma_wait3A_73 = tpu.memref_slice %arg5[%add3A_62, %dma_wait3A_71, %dma_wait3A_72] : memref<4096x200x64xf32, #tpu.memory_space<hbm>> -> memref<1x200x64xf32, #tpu.memory_space<hbm>>
    %dma_wait3A_74 = tpu.memref_squeeze %dma_wait3A_73 : memref<1x200x64xf32, #tpu.memory_space<hbm>> -> memref<200x64xf32, #tpu.memory_space<hbm>>
    %dma_wait3A_75 = arith.constant 0 : i32
    %dma_wait3A_76 = arith.constant 0 : i32
    %dma_wait3A_77 = tpu.memref_slice %arg7[%dma_wait3A, %dma_wait3A_75, %dma_wait3A_76] : memref<4x200x64xf32, #tpu.memory_space<vmem>> -> memref<1x200x64xf32, #tpu.memory_space<vmem>>
    %dma_wait3A_78 = tpu.memref_squeeze %dma_wait3A_77 : memref<1x200x64xf32, #tpu.memory_space<vmem>> -> memref<200x64xf32, #tpu.memory_space<vmem>>
    tpu.wait_dma2 semaphore(%arg15 : memref<!tpu.dma_semaphore, #tpu.memory_space<semaphore_mem>>) src(%dma_wait3A_78 : memref<200x64xf32, #tpu.memory_space<vmem>>) dst(%dma_wait3A_74 : memref<200x64xf32, #tpu.memory_space<hbm>>)
    %add3A_79 = arith.constant 127 : i32
    %add3A_80 = arith.addi %mul3A_4, %add3A_79 : i32
    %dma_wait3A_81 = arith.constant 3 : i32
    %dma_wait3A_82 = arith.constant 0 : i32
    %dma_wait3A_83 = arith.constant 0 : i32
    %dma_wait3A_84 = tpu.memref_slice %arg7[%dma_wait3A_81, %dma_wait3A_82, %dma_wait3A_83] : memref<4x200x64xf32, #tpu.memory_space<vmem>> -> memref<1x200x64xf32, #tpu.memory_space<vmem>>
    %dma_wait3A_85 = tpu.memref_squeeze %dma_wait3A_84 : memref<1x200x64xf32, #tpu.memory_space<vmem>> -> memref<200x64xf32, #tpu.memory_space<vmem>>
    %dma_wait3A_86 = arith.constant 0 : i32
    %dma_wait3A_87 = arith.constant 0 : i32
    %dma_wait3A_88 = tpu.memref_slice %arg5[%add3A_80, %dma_wait3A_86, %dma_wait3A_87] : memref<4096x200x64xf32, #tpu.memory_space<hbm>> -> memref<1x200x64xf32, #tpu.memory_space<hbm>>
    %dma_wait3A_89 = tpu.memref_squeeze %dma_wait3A_88 : memref<1x200x64xf32, #tpu.memory_space<hbm>> -> memref<200x64xf32, #tpu.memory_space<hbm>>
    %dma_wait3A_90 = arith.constant 0 : i32
    %dma_wait3A_91 = arith.constant 0 : i32
    %dma_wait3A_92 = tpu.memref_slice %arg5[%add3A_80, %dma_wait3A_90, %dma_wait3A_91] : memref<4096x200x64xf32, #tpu.memory_space<hbm>> -> memref<1x200x64xf32, #tpu.memory_space<hbm>>
    %dma_wait3A_93 = tpu.memref_squeeze %dma_wait3A_92 : memref<1x200x64xf32, #tpu.memory_space<hbm>> -> memref<200x64xf32, #tpu.memory_space<hbm>>
    %dma_wait3A_94 = arith.constant 0 : i32
    %dma_wait3A_95 = arith.constant 0 : i32
    %dma_wait3A_96 = tpu.memref_slice %arg7[%dma_wait3A_81, %dma_wait3A_94, %dma_wait3A_95] : memref<4x200x64xf32, #tpu.memory_space<vmem>> -> memref<1x200x64xf32, #tpu.memory_space<vmem>>
    %dma_wait3A_97 = tpu.memref_squeeze %dma_wait3A_96 : memref<1x200x64xf32, #tpu.memory_space<vmem>> -> memref<200x64xf32, #tpu.memory_space<vmem>>
    tpu.wait_dma2 semaphore(%arg16 : memref<!tpu.dma_semaphore, #tpu.memory_space<semaphore_mem>>) src(%dma_wait3A_97 : memref<200x64xf32, #tpu.memory_space<vmem>>) dst(%dma_wait3A_93 : memref<200x64xf32, #tpu.memory_space<hbm>>)
    return
  }
}

</mosaic_0001>

<sc_bundles>
// kernel: kernel.3.cloned.1.call-start
scs
__scs_entry_jumppad:
0x0: {  	(pc) =	sbr.rel $0x88, $3  }
0x1: {  	(tag) =	ssettag $0x0;
	lr =	simm.s32 $0x1  }
0x2: {  	[smem:$0x3F9E] =	sst lr;
	_ =	strace $0xD0000000  }
0x3: {  	_ = 	snop  }
0x4: {  	_ = 	snop  }
0x5: {  	_ = 	snop  }
0x6: {  	_ = 	snop  }
0x7: {  	_ = 	snop  }
__scs_overlays_trampoline_lowered:
0x8: {  	[smem:$0x3FAD] =	sst s0  }
0x9: {  	[smem:$0x3FAE] =	sst s1  }
0xa: {  	[smem:$0x3FAF] =	sst s2  }
0xb: {  	[smem:$0x3FB0] =	sst s3  }
0xc: {  	[smem:$0x3FB1] =	sst s4  }
0xd: {  	[smem:$0x3FB2] =	sst s5  }
0xe: {  	[smem:$0x3FB3] =	sst s6  }
0xf: {  	[smem:$0x3FB4] =	sst s7  }
0x10: {  	[smem:$0x3FB5] =	sst s8  }
0x11: {  	[smem:$0x3FB6] =	sst s9;
	s0 =	simm.s32 @!p0 $0x0  }
0x12: {  	s1 =	sld [smem:$0x3F9C];
	s0 =	simm.s32 @p0 $0x1  }
0x13: {  	[smem:$0x3FB7] =	sst s0;
	s0 =	simm.s32 @!p1 $0x0  }
0x14: {  	s2 =	sld [smem:$0x3F9B];
	s0 =	simm.s32 @p1 $0x1  }
0x15: {  	[smem:$0x3FB8] =	sst s0;
	s0 =	simm.s32 @!p2 $0x0  }
0x16: {  	s3 =	sld [smem:$0x3FDB];
	s0 =	simm.s32 @p2 $0x1  }
0x17: {  	s4 =	simm.s32 $0x1BF5;
	[smem:$0x3FBA] =	sst s0  }
0x18: {  	s0 =	sld [smem:$0x3F9D];
	_ =	swait.ge [sflag:s4], $0x0  }
0x19: {  	s7 =	sld [smem:$0x3F9E]  }
0x1a: {  	s8 =	sadd.s32 $0xFFFFE003, lr  }
0x1b: {  	s9 =	sadd.s32 $0xFFFFFEF7, lr;
	s5 =	simm.s32 $0xFFFFFFFF;
	p2 =	slt.u32 s8, $0xFFFFF086  }
0x1c: {  	p1 =	slt.u32 s9, $0xF7A;
	s5 =	simm.s32 @!p2 $0x0  }
0x1d: {  	s5 =	simm.s32 @p1 $0x1;
	p0 =	seq.s32 s7, s2  }
0x1e: {  	s7 =	smul.u32 @!p0 $0xF7A, s2;
	p2 =	seq.s32 @!p0 s5, $0x0  }
0x1f: {  	s9 =	smul.u32 $0xF7A, s1;
	s8 =	simm.s32 @!p0 $0x1BF5;
	p2 =	por !p2, p0  }
0x20: {  	[sflag:s8] =	ssyncset.s32 @!p0 $0xFFFFF086;
	s6 =	sadd.s32 @!p0 s3, s7;
	s7 =	simm.s32 @!p0 $0x108  }
0x21: {  	s3 =	sadd.s32 s3, s9;
	s6 =	sadd.s32 @!p0 $0x88, s6;
	s7 =	simm.s32 @p2 $0x1082  }
0x22: {  	[simem:s7], [sflag:s8] =	dma.local @!p0 [hbm:s6], $0xF7A  }
0x23: {  	s9 =	sor.u32 $0xD0000000, s2;
	s6 =	simm.s32 $0x108;
	_ =	swait.ge @!p0 [sflag:s8], $0x0  }
0x24: {  	s3 =	sadd.s32 $0x88, s3;
	s6 =	simm.s32 @!p1 $0x1082;
	[sflag:s4] =	ssyncset.s32 $0xFFFFF086  }
0x25: {  	[simem:s6], [sflag:s4] =	dma.local [hbm:s3], $0xF7A  }
0x26: {  	[smem:$0x3F9E] =	sst s1;
	(tag) =	ssettag s2;
	_ =	strace s9  }
0x27: {  	s1 =	sld [smem:$0x3FAE]  }
0x28: {  	s2 =	sld [smem:$0x3FAF]  }
0x29: {  	s4 =	sld [smem:$0x3FB1]  }
0x2a: {  	p0 =	seq.s32 s5, $0x0;
	s5 =	sld [smem:$0x3FB2]  }
0x2b: {  	s6 =	sld [smem:$0x3FB3]  }
0x2c: {  	s7 =	sld [smem:$0x3FB4]  }
0x2d: {  	s3 =	simm.s32 $0x108;
	s8 =	sld [smem:$0x3FB5]  }
0x2e: {  	s3 =	simm.s32 @!p0 $0x1082;
	s9 =	sld [smem:$0x3FB6]  }
0x2f: {  	lr =	sadd.s32 s0, s3;
	s0 =	sld [smem:$0x3FAD]  }
0x30: {  	s3 =	sld [smem:$0x3FB0]  }
0x31: {  	[smem:$0x3FB9] =	sst s10  }
0x32: {  	s10 =	sld [smem:$0x3FB7];
	_ =	sdelay $0x3  }
0x33: {  	p0 =	seq.s32 s10, $0x1;
	s10 =	sld [smem:$0x3FB9];
	_ =	sdelay $0x3  }
0x34: {  	[smem:$0x3FB9] =	sst s10  }
0x35: {  	s10 =	sld [smem:$0x3FB8];
	_ =	sdelay $0x3  }
0x36: {  	p1 =	seq.s32 s10, $0x1;
	s10 =	sld [smem:$0x3FB9];
	_ =	sdelay $0x3  }
0x37: {  	[smem:$0x3FB9] =	sst s10  }
0x38: {  	s10 =	sld [smem:$0x3FBA]  }
0x39: {  	_ = 	snop;
	(pc) =	sbr.ind lr, $3  }
0x3a: {  	_ = 	snop  }
0x3b: {  	_ = 	snop  }
0x3c: {  	p2 =	seq.s32 s10, $0x1;
	s10 =	sld [smem:$0x3FB9]  }
0x3d: {  	_ =	shalt  }
0x3e: {  	_ =	shalt  }
0x3f: {  	_ =	shalt  }
0x40: {  	_ =	shalt  }
0x41: {  	_ =	shalt  }
0x42: {  	_ =	shalt  }
0x43: {  	_ =	shalt  }
0x44: {  	_ =	shalt  }
0x45: {  	_ =	shalt  }
0x46: {  	_ =	shalt  }
0x47: {  	_ =	shalt  }
0x48: {  	_ =	shalt  }
0x49: {  	_ =	shalt  }
0x4a: {  	_ =	shalt  }
0x4b: {  	_ =	shalt  }
0x4c: {  	_ =	shalt  }
0x4d: {  	_ =	shalt  }
0x4e: {  	_ =	shalt  }
0x4f: {  	_ =	shalt  }
0x50: {  	_ =	shalt  }
0x51: {  	_ =	shalt  }
0x52: {  	_ =	shalt  }
0x53: {  	_ =	shalt  }
0x54: {  	_ =	shalt  }
0x55: {  	_ =	shalt  }
0x56: {  	_ =	shalt  }
0x57: {  	_ =	shalt  }
0x58: {  	_ =	shalt  }
0x59: {  	_ =	shalt  }
0x5a: {  	_ =	shalt  }
0x5b: {  	_ =	shalt  }
0x5c: {  	_ =	shalt  }
0x5d: {  	_ =	shalt  }
0x5e: {  	_ =	shalt  }
0x5f: {  	_ =	shalt  }
0x60: {  	_ =	shalt  }
0x61: {  	_ =	shalt  }
0x62: {  	_ =	shalt  }
0x63: {  	_ =	shalt  }
0x64: {  	_ =	shalt  }
0x65: {  	_ =	shalt  }
0x66: {  	_ =	shalt  }
0x67: {  	_ =	shalt  }
0x68: {  	_ =	shalt  }
0x69: {  	_ =	shalt  }
0x6a: {  	_ =	shalt  }
0x6b: {  	_ =	shalt  }
0x6c: {  	_ =	shalt  }
0x6d: {  	_ =	shalt  }
0x6e: {  	_ =	shalt  }
0x6f: {  	_ =	shalt  }
0x70: {  	_ =	shalt  }
0x71: {  	_ =	shalt  }
0x72: {  	_ =	shalt  }
0x73: {  	_ =	shalt  }
0x74: {  	_ =	shalt  }
0x75: {  	_ =	shalt  }
0x76: {  	_ =	shalt  }
0x77: {  	_ =	shalt  }
0x78: {  	_ =	shalt  }
0x79: {  	_ =	shalt  }
0x7a: {  	_ =	shalt  }
0x7b: {  	_ =	shalt  }
0x7c: {  	_ =	shalt  }
0x7d: {  	_ =	shalt  }
0x7e: {  	_ =	shalt  }
0x7f: {  	_ =	shalt  }
0x80: {  	_ =	shalt  }
0x81: {  	_ =	shalt  }
0x82: {  	_ =	shalt  }
0x83: {  	_ =	shalt  }
0x84: {  	_ =	shalt  }
0x85: {  	_ =	shalt  }
0x86: {  	_ =	shalt  }
0x87: {  	_ =	shalt  }
.Lfunc_end0:
.L_simem_size_0:
called_computation.1_lowered:
.L_overlay_start_0:
0x88: {  	s2 =	sld [smem:$0x3FD9]  }
0x89: {  	s3 =	sld [smem:$0x3FFE];
	_ =	sdelay $0x1  }
0x8a: {  	s1 =	srdreg.scid  }
0x8b: {  	s0 =	sand.u32 $0x1, s1  }
0x8c: {  	s17 =	sshll.u32 s0, $0xA;
	s2 =	sadd.s32 s3, s2  }
0x8d: {  	s2 =	sadd.s32 s2, s17  }
0x8e: {  	[smem:$0x3FC5] =	sst s2  }
0x8f: {  	_ = 	snop  }
0x90: {  	s2 =	sld [smem:$0x3FD0];
	(tm) =	ssettm $0x1  }
0x91: {  	s18 =	sld [smem:$0x3FFB];
	_ =	sdelay $0x3  }
0x92: {  	_ =	strace s18  }
0x93: {  	s3 =	sld [smem:$0x3FFC];
	_ =	sdelay $0x3  }
0x94: {  	_ =	strace s3  }
0x95: {  	s3 =	sld [smem:$0x3FFD];
	_ =	sdelay $0x3  }
0x96: {  	_ =	strace s3  }
0x97: {  	_ =	strace $0x8FFFFFFF  }
0x98: {  	s19 =	sld [smem:$0x3FDB];
	_ =	sdelay $0x1  }
0x99: {  	s4 =	simm.s32 $_scs_section_size  }
0x9a: {  	s5 =	simm.s32 $_size__tile_overlayer_lowered;
	s6 =	simm.s32 $_tile_overlayer_lowered  }
0x9b: {  	s22 =	simm.s32 $0x1BFF;
	s21 =	sshll.u32 s6, $0x1;
	s3 =	sadd.s32 s4, s19  }
0x9c: {  	s7 =	simm.s32 $0x0;
	s20 =	sshll.u32 s5, $0x1;
	s5 =	sadd.s32 s21, s3  }
0x9d: {  	[timem:s7], [sflag:s22] =	dma.local [hbm:s5], s20  }
0x9e: {  	_ =	swait.ge [sflag:s22], s20  }
0x9f: {  	s4 =	ssub.s32 $0x0, s20;
	[sflag:s22] =	ssyncset.done $0x0  }
0xa0: {  	[sflag:s22] =	ssyncadd.s32 s4;
	_ =	sdelay $0x1  }
0xa1: {  	s23 =	simm.s32 $0x1B8B  }
0xa2: {  	_ =	swait.ge [sflag:s23], $0x1  }
0xa3: {  	[sflag:s23] =	ssyncset.done $0x0  }
0xa4: {  	s25 =	simm.s32 $0x1B8E;
	s24 =	sld [smem:$0x3FFE];
	[sflag:s23] =	ssyncadd.s32 $0xFFFFFFFF  }
0xa5: {  	s26 =	simm.s32 $execute0_lowered;
	[smem:$0x3FD2] =	sst s25  }
0xa6: {  	s5 =	sshll.u32 s26, $0x1;
	_ =	strace $0x80000046;
	[dreg:$0x1] =	wrdreg $0xFFFFFFFF  }
0xa7: {  	s28 =	simm.s32 $_size_execute0_lowered;
	s3 =	sadd.s32 s3, s5;
	[dreg:$0x0] =	wrdreg $0x0  }
0xa8: {  	s5 =	sshll.u32 s28, $0x1;
	[dreg:$0x2] =	wrdreg s3  }
0xa9: {  	[dreg:$0x3] =	wrdreg s5  }
0xaa: {  	[dreg:$0x4] =	wrdreg $0xC0  }
0xab: {  	_ =	task [dreg:s7], $0x5FFFF  }
0xac: {  	[dreg:$0x1] =	wrdreg $0xFFFFFFFF  }
0xad: {  	[dreg:$0x0] =	wrdreg $0x60  }
0xae: {  	[dreg:$0x2] =	wrdreg s24  }
0xaf: {  	[dreg:$0x3] =	wrdreg s2  }
0xb0: {  	[dreg:$0x4] =	wrdreg $0x9  }
0xb1: {  	_ =	task.clear_ibuf [dreg:s7], $0x5FFFF;
	_ =	strace $0x90000046  }
0xb2: {  	s29 =	simm.s32 $0x9;
	_ =	strace $0x80000048  }
0xb3: {  	_ =	swait.ge [sflag:s29], $0x1  }
0xb4: {  	[sflag:s29] =	ssyncadd.s32 $0xFFFFFFFF  }
0xb5: {  	_ =	strace $0x90000048  }
0xb6: {  	_ =	sfence  }
0xb7: {  	s30 =	sld [smem:$0x0];
	_ =	sdelay $0x2  }
0xb8: {  	s31 =	sshll.u32 s1, $0xD;
	s1 =	sshrl.u32 s1, $0x2  }
0xb9: {  	s3 =	sand.u32 $0x4000, s31;
	s1 =	sadd.s32 s1, s30  }
0xba: {  	s0 =	sor.u32 s3, s0;
	s1 =	sshll.u32 s1, $0x11  }
0xbb: {  	s0 =	sor.u32 s1, s0  }
0xbc: {  	s0 =	sadd.s32 $0x8F2B, s0  }
0xbd: {  	[sflag:s0] =	ssyncadd.remote.s32 $0x1  }
0xbe: {  	_ =	sfence.sel $0xFFFF  }
0xbf: {  	[dreg:$0x0] =	wrdreg $0xFFFFFFFF;
	(pc) =	sbr.abs _section_cstart, $3  }
0xc0: {  	[dreg:$0x1] =	wrdreg $0xFFFFFFFF  }
0xc1: {  	_ =	task.clear_ibuf [dreg:s7], $0x2FFFF;
	_ =	strace $0x9FFFFFFF  }
0xc2: {  	(tm) =	ssettm $0x7FFFFFFF  }
0xc3: {  	_ =	shalt  }
tec
execute0_lowered:
.L_overlay_start_1:
0x0: {  	(tag) =	ssettag $0x1  }
0x1: {  	s0 =	srdreg.scid  }
0x2: {  	s2 =	stileid.u32;
	s1 =	rddreg [dreg:$0x0];
	s10 =	simm.s32 $0x9  }
0x3: {  	s11 =	simm.s32 $0x80;
	s12 =	simm.s32 $0x6400;
	s13 =	simm.s32 $0x48  }
0x4: {  	s16 =	simm.s32 $0x9600;
	s18 =	simm.s32 $0xB600;
	s19 =	simm.s32 $0xC800  }
0x5: {  	s20 =	simm.s32 $0xE800;
	s21 =	simm.s32 $0x1;
	s22 =	simm.s32 $0xFA00  }
0x6: {  	s23 =	simm.s32 $0x11A00;
	s24 =	simm.s32 $0x2;
	s25 =	simm.s32 $0x3  }
0x7: {  	s26 =	simm.s32 $0x4;
	s28 =	simm.s32 $0x7;
	s29 =	simm.s32 $0x8  }
0x8: {  	s30 =	simm.s32 $0x0;
	s0 =	sand.u32 $0x1, s0;
	s3 =	sshll.u32 s2, $0x1  }
0x9: {  	s2 =	rddreg [dreg:$0x1];
	s5 =	sadd.s32 $0x800, s1;
	s6 =	sor.u32 s0, s3  }
0xa: {  	s3 =	simm.s32 $0x0;
	s0 =	ssub.s32 $0x2, s0;
	s4 =	smul.u32 $0xC80, s6  }
0xb: {  	[smem:$0x7FF] =	sst s3;
	s8 =	sshrl.u32 s0, $0x1;
	s6 =	sshll.u32 s6, $0x7  }
0xc: {  	_ =	strace $0x80000047;
	s0 =	ssub.s32 s0, s8;
	s7 =	sadd.s32 s4, s1  }
0xd: {  	s4 =	sadd.s32 $0x1A800, s1;
	s8 =	smax.u32 s0, $0x1;
	s7 =	sadd.s32 $0x1800, s7  }
.LBB2_1:
0xe: {  	s0 =	simm.s32 $0x12C00  }
0xf: {  	[tilespmem:s0], [sflag:$0x9] =	stream.linear.gather [hbm4b:s5+s3], $0x3200, $0x38;
	[tilespmem:$0x15E00] =	vst v63  }
0x10: {  	_ =	swait.ge [sflag:s10], $0x3200  }
0x11: {  	[sflag:s10] =	ssyncset.done $0x0  }
0x12: {  	[sflag:s10] =	ssyncadd.s32 $0xFFFFCE00  }
0x13: {  	[tilespmem:s3], [sflag:$0x9] =	stream.linear.gather [hbm4b:s7+s3], $0x6400, $0x38;
	[tilespmem:$0x15E00] =	vst v63  }
0x14: {  	_ =	swait.ge [sflag:s10], $0x6400  }
0x15: {  	[sflag:s10] =	ssyncset.done $0x0  }
0x16: {  	[sflag:s10] =	ssyncadd.s32 $0xFFFF9C00  }
0x17: {  	[tilespmem:s12], [sflag:$0x1] =	stream.indirect.gather [hbm4b:s4+s11], $0x40, s3, s11, $0xb8;
	[tilespmem:$0x15E00] =	vst v63  }
0x18: {  	s14 =	simm.s32 $0x8400  }
0x19: {  	[tilespmem:s14], [sflag:$0x1] =	stream.indirect.gather [hbm4b:s4+s13], $0x40, s11, s13, $0xb8;
	[tilespmem:$0x15E00] =	vst v63  }
0x1a: {  	s15 =	simm.s32 $0xC8  }
0x1b: {  	[tilespmem:s16], [sflag:$0x2] =	stream.indirect.gather [hbm4b:s4+s11], $0x40, s15, s11, $0xb8;
	[tilespmem:$0x15E00] =	vst v63  }
0x1c: {  	s17 =	simm.s32 $0x148;
	s31 =	simm.s32 $0x0  }
0x1d: {  	[tilespmem:s18], [sflag:$0x2] =	stream.indirect.gather [hbm4b:s4+s13], $0x40, s17, s13, $0xb8;
	[tilespmem:$0x15E00] =	vst v63  }
.LBB2_2:
0x1e: {  	s9 =	sshll.u32 s31, $0x2;
	p0 =	seq.s32 s31, $0x0  }
0x1f: {  	s0 =	sor.u32 $0x2, s9;
	s1 =	simm.s32 @!p0 $0x7  }
0x20: {  	_ =	swait.ge @!p0 [sflag:s1], $0x3200;
	s14 =	smul.u32 $0x320, s0  }
0x21: {  	[sflag:s1] =	ssyncset.done @!p0 $0x0  }
0x22: {  	[sflag:s1] =	ssyncadd.s32 @!p0 $0xFFFFCE00;
	s17 =	sshra.s32 s14, $0x2  }
0x23: {  	[tilespmem:s19], [sflag:$0x3] =	stream.indirect.gather [hbm4b:s4+s11], $0x40, s17, s11, $0xb8;
	[tilespmem:$0x15E00] =	vst v63  }
0x24: {  	s1 =	sadd.s32 $0x80, s17  }
0x25: {  	[tilespmem:s20], [sflag:$0x3] =	stream.indirect.gather [hbm4b:s4+s13], $0x40, s1, s13, $0xb8;
	[tilespmem:$0x15E00] =	vst v63  }
0x26: {  	_ =	swait.ge [sflag:s21], $0x2000  }
0x27: {  	[sflag:s21] =	ssyncset.done $0x0  }
0x28: {  	[sflag:s21] =	ssyncadd.s32 $0xFFFFE000  }
0x29: {  	_ =	swait.ge [sflag:s21], $0x1200  }
0x2a: {  	[sflag:s21] =	ssyncset.done $0x0  }
0x2b: {  	s1 =	simm.s32 $0x70;
	[sflag:s21] =	ssyncadd.s32 $0xFFFFEE00  }
0x2c: {  	v7 =	vld [tilespmem:s1+$0x12B90]  }
0x2d: {  	v11 =	vld [tilespmem:s1+$0x12BA0]  }
0x2e: {  	v5 =	vld [tilespmem:s1+$0x12BB0]  }
0x2f: {  	v4 =	vld [tilespmem:s1+$0x12BC0]  }
0x30: {  	v3 =	vld [tilespmem:s1+$0x12BD0]  }
0x31: {  	v2 =	vld [tilespmem:s1+$0x12BE0]  }
0x32: {  	v1 =	vld [tilespmem:s1+$0x12BF0]  }
0x33: {  	v0 =	vld [tilespmem:s1+$0x12C00]  }
0x34: {  	v12 =	vld [tilespmem:s1+$0x6390]  }
0x35: {  	v13 =	vld [tilespmem:s1+$0x63A0]  }
0x36: {  	v10 =	vld [tilespmem:s1+$0x63B0]  }
0x37: {  	v9 =	vld [tilespmem:s1+$0x63C0]  }
0x38: {  	v8 =	vld [tilespmem:s1+$0x63D0]  }
0x39: {  	v6 =	vld [tilespmem:s1+$0x63E0];
	v12 =	vadd.f32 v7, v12  }
0x3a: {  	s14 =	simm.s32 $0x3C0;
	v11 =	vadd.f32 v11, v13;
	v7 =	vld [tilespmem:s1+$0x63F0]  }
.LBB2_3:
0x3b: {  	s15 =	sshra.s32 s14, $0x2;
	p1 =	sne.s32 s14, $0xC7C0;
	[tilespmem:s1+$0x6390] =	vst v12;
	v5 =	vadd.f32 v5, v10;
	v10 =	vld [tilespmem:s1+$0x6400]  }
0x3c: {  	v12 =	vld [tilespmem:s15+$0x12B90];
	[tilespmem:s1+$0x63A0] =	vst v11;
	v4 =	vadd.f32 v4, v9  }
0x3d: {  	v11 =	vld [tilespmem:s15+$0x12BA0];
	[tilespmem:s1+$0x63B0] =	vst v5;
	v3 =	vadd.f32 v3, v8  }
0x3e: {  	v5 =	vld [tilespmem:s15+$0x12BB0];
	[tilespmem:s1+$0x63C0] =	vst v4;
	v2 =	vadd.f32 v2, v6  }
0x3f: {  	v4 =	vld [tilespmem:s15+$0x12BC0];
	[tilespmem:s1+$0x63D0] =	vst v3;
	v1 =	vadd.f32 v1, v7  }
0x40: {  	v3 =	vld [tilespmem:s15+$0x12BD0];
	[tilespmem:s1+$0x63E0] =	vst v2;
	v0 =	vadd.f32 v0, v10  }
0x41: {  	v2 =	vld [tilespmem:s15+$0x12BE0];
	[tilespmem:s1+$0x63F0] =	vst v1  }
0x42: {  	v1 =	vld [tilespmem:s15+$0x12BF0];
	[tilespmem:s1+$0x6400] =	vst v0;
	s1 =	smov.u32 s15  }
0x43: {  	v0 =	vld [tilespmem:s1+$0x12C00]  }
0x44: {  	v6 =	vld [tilespmem:s1+$0x6390]  }
0x45: {  	v7 =	vld [tilespmem:s1+$0x63A0]  }
.Ltmp0:
0x46: {  	v10 =	vld [tilespmem:s1+$0x63B0];
	(pc) =	sbr.rel @p1 .LBB2_3-.Ltmp0, $4  }
0x47: {  	v9 =	vld [tilespmem:s1+$0x63C0]  }
0x48: {  	v8 =	vld [tilespmem:s1+$0x63D0]  }
0x49: {  	v12 =	vadd.f32 v12, v6;
	v6 =	vld [tilespmem:s1+$0x63E0]  }
0x4a: {  	s14 =	sadd.s32 $0x200, s14;
	v11 =	vadd.f32 v11, v7;
	v7 =	vld [tilespmem:s1+$0x63F0]  }
0x4b: {  	[tilespmem:s1+$0x6390] =	vst v12;
	v5 =	vadd.f32 v5, v10;
	v10 =	vld [tilespmem:s1+$0x6400]  }
0x4c: {  	[tilespmem:s1+$0x63A0] =	vst v11;
	v4 =	vadd.f32 v4, v9  }
0x4d: {  	[tilespmem:s1+$0x63B0] =	vst v5;
	v3 =	vadd.f32 v3, v8  }
0x4e: {  	[tilespmem:s1+$0x63C0] =	vst v4;
	v2 =	vadd.f32 v2, v6  }
0x4f: {  	s14 =	sadd.s32 s6, s9;
	[tilespmem:s1+$0x63D0] =	vst v3;
	v1 =	vadd.f32 v1, v7  }
0x50: {  	s14 =	smul.u32 $0x640, s14;
	[tilespmem:s1+$0x63E0] =	vst v2;
	v0 =	vadd.f32 v0, v10  }
0x51: {  	[tilespmem:s1+$0x63F0] =	vst v1  }
0x52: {  	s15 =	sadd.s32 s2, s14;
	s14 =	simm.s32 @!p0 $0x8;
	[tilespmem:s1+$0x6400] =	vst v0;
	s1 =	sor.u32 $0x3, s9  }
0x53: {  	[hbm4b:s15+s3] =	stream.linear.scatter [tilespmem:s12], [sflag:$0x5], $0x3200, $0x38;
	[tilespmem:$0x15E00] =	vst v63  }
0x54: {  	s15 =	smul.u32 $0x320, s1;
	_ =	swait.ge @!p0 [sflag:s14], $0x3200  }
0x55: {  	[sflag:s14] =	ssyncset.done @!p0 $0x0  }
0x56: {  	s17 =	sshra.s32 s15, $0x2;
	[sflag:s14] =	ssyncadd.s32 @!p0 $0xFFFFCE00  }
0x57: {  	[tilespmem:s22], [sflag:$0x4] =	stream.indirect.gather [hbm4b:s4+s11], $0x40, s17, s11, $0xb8;
	[tilespmem:$0x15E00] =	vst v63  }
0x58: {  	s14 =	sadd.s32 $0x80, s17  }
0x59: {  	[tilespmem:s23], [sflag:$0x4] =	stream.indirect.gather [hbm4b:s4+s13], $0x40, s14, s13, $0xb8;
	[tilespmem:$0x15E00] =	vst v63  }
0x5a: {  	_ =	swait.ge [sflag:s24], $0x2000  }
0x5b: {  	[sflag:s24] =	ssyncset.done $0x0  }
0x5c: {  	[sflag:s24] =	ssyncadd.s32 $0xFFFFE000  }
0x5d: {  	_ =	swait.ge [sflag:s24], $0x1200  }
0x5e: {  	[sflag:s24] =	ssyncset.done $0x0  }
0x5f: {  	s14 =	simm.s32 $0x0;
	[sflag:s24] =	ssyncadd.s32 $0xFFFFEE00  }
0x60: {  	v7 =	vld [tilespmem:s14+$0x12C00]  }
0x61: {  	v11 =	vld [tilespmem:s14+$0x12C10]  }
0x62: {  	v5 =	vld [tilespmem:s14+$0x12C20]  }
0x63: {  	v4 =	vld [tilespmem:s14+$0x12C30]  }
0x64: {  	v3 =	vld [tilespmem:s14+$0x12C40]  }
0x65: {  	v2 =	vld [tilespmem:s14+$0x12C50]  }
0x66: {  	v1 =	vld [tilespmem:s14+$0x12C60]  }
0x67: {  	v0 =	vld [tilespmem:s14+$0x12C70]  }
0x68: {  	v12 =	vld [tilespmem:s14+$0x9600]  }
0x69: {  	v13 =	vld [tilespmem:s14+$0x9610]  }
0x6a: {  	v10 =	vld [tilespmem:s14+$0x9620]  }
0x6b: {  	v9 =	vld [tilespmem:s14+$0x9630]  }
0x6c: {  	v8 =	vld [tilespmem:s14+$0x9640]  }
0x6d: {  	v6 =	vld [tilespmem:s14+$0x9650];
	v12 =	vadd.f32 v7, v12  }
0x6e: {  	s9 =	sor.u32 $0x1, s9;
	s15 =	simm.s32 $0x200;
	v11 =	vadd.f32 v11, v13;
	v7 =	vld [tilespmem:s14+$0x9660]  }
.LBB2_5:
0x6f: {  	s17 =	sshra.s32 s15, $0x2;
	p0 =	sne.s32 s15, $0xC600;
	[tilespmem:s14+$0x9600] =	vst v12;
	v5 =	vadd.f32 v5, v10;
	v10 =	vld [tilespmem:s14+$0x9670]  }
0x70: {  	v12 =	vld [tilespmem:s17+$0x12C00];
	[tilespmem:s14+$0x9610] =	vst v11;
	v4 =	vadd.f32 v4, v9  }
0x71: {  	v11 =	vld [tilespmem:s17+$0x12C10];
	[tilespmem:s14+$0x9620] =	vst v5;
	v3 =	vadd.f32 v3, v8  }
0x72: {  	v5 =	vld [tilespmem:s17+$0x12C20];
	[tilespmem:s14+$0x9630] =	vst v4;
	v2 =	vadd.f32 v2, v6  }
0x73: {  	v4 =	vld [tilespmem:s17+$0x12C30];
	[tilespmem:s14+$0x9640] =	vst v3;
	v1 =	vadd.f32 v1, v7  }
0x74: {  	v3 =	vld [tilespmem:s17+$0x12C40];
	[tilespmem:s14+$0x9650] =	vst v2;
	v0 =	vadd.f32 v0, v10  }
0x75: {  	v2 =	vld [tilespmem:s17+$0x12C50];
	[tilespmem:s14+$0x9660] =	vst v1  }
0x76: {  	v1 =	vld [tilespmem:s17+$0x12C60];
	[tilespmem:s14+$0x9670] =	vst v0;
	s14 =	smov.u32 s17  }
0x77: {  	v0 =	vld [tilespmem:s14+$0x12C70]  }
0x78: {  	v6 =	vld [tilespmem:s14+$0x9600]  }
0x79: {  	v7 =	vld [tilespmem:s14+$0x9610]  }
.Ltmp1:
0x7a: {  	v10 =	vld [tilespmem:s14+$0x9620];
	(pc) =	sbr.rel @p0 .LBB2_5-.Ltmp1, $4  }
0x7b: {  	v9 =	vld [tilespmem:s14+$0x9630]  }
0x7c: {  	v8 =	vld [tilespmem:s14+$0x9640]  }
0x7d: {  	v12 =	vadd.f32 v12, v6;
	v6 =	vld [tilespmem:s14+$0x9650]  }
0x7e: {  	s15 =	sadd.s32 $0x200, s15;
	v11 =	vadd.f32 v11, v7;
	v7 =	vld [tilespmem:s14+$0x9660]  }
0x7f: {  	[tilespmem:s14+$0x9600] =	vst v12;
	v5 =	vadd.f32 v5, v10;
	v10 =	vld [tilespmem:s14+$0x9670]  }
0x80: {  	[tilespmem:s14+$0x9610] =	vst v11;
	v4 =	vadd.f32 v4, v9  }
0x81: {  	[tilespmem:s14+$0x9620] =	vst v5;
	v3 =	vadd.f32 v3, v8  }
0x82: {  	[tilespmem:s14+$0x9630] =	vst v4;
	v2 =	vadd.f32 v2, v6  }
0x83: {  	s9 =	sadd.s32 s6, s9;
	[tilespmem:s14+$0x9640] =	vst v3;
	v1 =	vadd.f32 v1, v7  }
0x84: {  	s9 =	smul.u32 $0x640, s9;
	[tilespmem:s14+$0x9650] =	vst v2;
	v0 =	vadd.f32 v0, v10  }
0x85: {  	[tilespmem:s14+$0x9660] =	vst v1  }
0x86: {  	p0 =	seq.s32 s31, $0x1F;
	s9 =	sadd.s32 s2, s9;
	[tilespmem:s14+$0x9670] =	vst v0  }
0x87: {  	[hbm4b:s9+s3] =	stream.linear.scatter [tilespmem:s16], [sflag:$0x6], $0x3200, $0x38;
	[tilespmem:$0x15E00] =	vst v63  }
0x88: {  	s9 =	simm.s32 @!p0 $0x5  }
0x89: {  	s14 =	smul.u32 @!p0 $0xC80, s31;
	_ =	swait.ge @!p0 [sflag:s9], $0x3200  }
0x8a: {  	[sflag:s9] =	ssyncset.done @!p0 $0x0  }
0x8b: {  	[sflag:s9] =	ssyncadd.s32 @!p0 $0xFFFFCE00;
	s9 =	sshra.s32 @!p0 s14, $0x2  }
0x8c: {  	s15 =	simm.s32 @!p0 $0x80;
	s17 =	simm.s32 @!p0 $0x6400;
	s14 =	sadd.s32 @!p0 $0x320, s9  }
0x8d: {  	[tilespmem:s17], [sflag:$0x1] =	stream.indirect.gather @!p0 [hbm4b:s4+s15], $0x40, s14, s15, $0xb8;
	[tilespmem:$0x15E00] =	vst v63  }
0x8e: {  	s14 =	sadd.s32 @!p0 $0x3A0, s9;
	s15 =	simm.s32 @!p0 $0x48;
	s17 =	simm.s32 @!p0 $0x8400  }
0x8f: {  	[tilespmem:s17], [sflag:$0x1] =	stream.indirect.gather @!p0 [hbm4b:s4+s15], $0x40, s14, s15, $0xb8;
	[tilespmem:$0x15E00] =	vst v63  }
0x90: {  	_ =	swait.ge [sflag:s25], $0x2000  }
0x91: {  	[sflag:s25] =	ssyncset.done $0x0  }
0x92: {  	[sflag:s25] =	ssyncadd.s32 $0xFFFFE000  }
0x93: {  	_ =	swait.ge [sflag:s25], $0x1200  }
0x94: {  	[sflag:s25] =	ssyncset.done $0x0  }
0x95: {  	s14 =	simm.s32 $0x0;
	[sflag:s25] =	ssyncadd.s32 $0xFFFFEE00  }
0x96: {  	v7 =	vld [tilespmem:s14+$0x12C00]  }
0x97: {  	v11 =	vld [tilespmem:s14+$0x12C10]  }
0x98: {  	v5 =	vld [tilespmem:s14+$0x12C20]  }
0x99: {  	v4 =	vld [tilespmem:s14+$0x12C30]  }
0x9a: {  	v3 =	vld [tilespmem:s14+$0x12C40]  }
0x9b: {  	v2 =	vld [tilespmem:s14+$0x12C50]  }
0x9c: {  	v1 =	vld [tilespmem:s14+$0x12C60]  }
0x9d: {  	v0 =	vld [tilespmem:s14+$0x12C70]  }
0x9e: {  	v12 =	vld [tilespmem:s14+$0xC800]  }
0x9f: {  	v13 =	vld [tilespmem:s14+$0xC810]  }
0xa0: {  	v10 =	vld [tilespmem:s14+$0xC820]  }
0xa1: {  	v9 =	vld [tilespmem:s14+$0xC830]  }
0xa2: {  	v8 =	vld [tilespmem:s14+$0xC840]  }
0xa3: {  	v6 =	vld [tilespmem:s14+$0xC850];
	v12 =	vadd.f32 v7, v12  }
0xa4: {  	s15 =	simm.s32 $0x200;
	v11 =	vadd.f32 v11, v13;
	v7 =	vld [tilespmem:s14+$0xC860]  }
.LBB2_7:
0xa5: {  	s17 =	sshra.s32 s15, $0x2;
	p1 =	sne.s32 s15, $0xC600;
	[tilespmem:s14+$0xC800] =	vst v12;
	v5 =	vadd.f32 v5, v10;
	v10 =	vld [tilespmem:s14+$0xC870]  }
0xa6: {  	v12 =	vld [tilespmem:s17+$0x12C00];
	[tilespmem:s14+$0xC810] =	vst v11;
	v4 =	vadd.f32 v4, v9  }
0xa7: {  	v11 =	vld [tilespmem:s17+$0x12C10];
	[tilespmem:s14+$0xC820] =	vst v5;
	v3 =	vadd.f32 v3, v8  }
0xa8: {  	v5 =	vld [tilespmem:s17+$0x12C20];
	[tilespmem:s14+$0xC830] =	vst v4;
	v2 =	vadd.f32 v2, v6  }
0xa9: {  	v4 =	vld [tilespmem:s17+$0x12C30];
	[tilespmem:s14+$0xC840] =	vst v3;
	v1 =	vadd.f32 v1, v7  }
0xaa: {  	v3 =	vld [tilespmem:s17+$0x12C40];
	[tilespmem:s14+$0xC850] =	vst v2;
	v0 =	vadd.f32 v0, v10  }
0xab: {  	v2 =	vld [tilespmem:s17+$0x12C50];
	[tilespmem:s14+$0xC860] =	vst v1  }
0xac: {  	v1 =	vld [tilespmem:s17+$0x12C60];
	[tilespmem:s14+$0xC870] =	vst v0;
	s14 =	smov.u32 s17  }
0xad: {  	v0 =	vld [tilespmem:s14+$0x12C70]  }
0xae: {  	v6 =	vld [tilespmem:s14+$0xC800]  }
0xaf: {  	v7 =	vld [tilespmem:s14+$0xC810]  }
.Ltmp2:
0xb0: {  	v10 =	vld [tilespmem:s14+$0xC820];
	(pc) =	sbr.rel @p1 .LBB2_7-.Ltmp2, $4  }
0xb1: {  	v9 =	vld [tilespmem:s14+$0xC830]  }
0xb2: {  	v8 =	vld [tilespmem:s14+$0xC840]  }
0xb3: {  	v12 =	vadd.f32 v12, v6;
	v6 =	vld [tilespmem:s14+$0xC850]  }
0xb4: {  	s15 =	sadd.s32 $0x200, s15;
	v11 =	vadd.f32 v11, v7;
	v7 =	vld [tilespmem:s14+$0xC860]  }
0xb5: {  	[tilespmem:s14+$0xC800] =	vst v12;
	v5 =	vadd.f32 v5, v10;
	v10 =	vld [tilespmem:s14+$0xC870]  }
0xb6: {  	[tilespmem:s14+$0xC810] =	vst v11;
	v4 =	vadd.f32 v4, v9  }
0xb7: {  	[tilespmem:s14+$0xC820] =	vst v5;
	v3 =	vadd.f32 v3, v8  }
0xb8: {  	[tilespmem:s14+$0xC830] =	vst v4;
	v2 =	vadd.f32 v2, v6  }
0xb9: {  	s0 =	sadd.s32 s6, s0;
	[tilespmem:s14+$0xC840] =	vst v3;
	v1 =	vadd.f32 v1, v7  }
0xba: {  	s0 =	smul.u32 $0x640, s0;
	[tilespmem:s14+$0xC850] =	vst v2;
	v0 =	vadd.f32 v0, v10  }
0xbb: {  	[tilespmem:s14+$0xC860] =	vst v1  }
0xbc: {  	s0 =	sadd.s32 s2, s0;
	[tilespmem:s14+$0xC870] =	vst v0  }
0xbd: {  	[hbm4b:s0+s3] =	stream.linear.scatter [tilespmem:s19], [sflag:$0x7], $0x3200, $0x38;
	[tilespmem:$0x15E00] =	vst v63  }
0xbe: {  	s0 =	simm.s32 @!p0 $0x6  }
0xbf: {  	_ =	swait.ge @!p0 [sflag:s0], $0x3200  }
0xc0: {  	s15 =	simm.s32 @!p0 $0x9600;
	[sflag:s0] =	ssyncset.done @!p0 $0x0  }
0xc1: {  	s14 =	simm.s32 @!p0 $0x80;
	[sflag:s0] =	ssyncadd.s32 @!p0 $0xFFFFCE00;
	s0 =	sadd.s32 @!p0 $0x3E8, s9  }
0xc2: {  	[tilespmem:s15], [sflag:$0x2] =	stream.indirect.gather @!p0 [hbm4b:s4+s14], $0x40, s0, s14, $0xb8;
	[tilespmem:$0x15E00] =	vst v63  }
0xc3: {  	s0 =	sadd.s32 @!p0 $0x468, s9;
	s9 =	simm.s32 @!p0 $0x48;
	s14 =	simm.s32 @!p0 $0xB600  }
0xc4: {  	[tilespmem:s14], [sflag:$0x2] =	stream.indirect.gather @!p0 [hbm4b:s4+s9], $0x40, s0, s9, $0xb8;
	[tilespmem:$0x15E00] =	vst v63  }
0xc5: {  	_ =	swait.ge [sflag:s26], $0x2000  }
0xc6: {  	[sflag:s26] =	ssyncset.done $0x0  }
0xc7: {  	[sflag:s26] =	ssyncadd.s32 $0xFFFFE000  }
0xc8: {  	_ =	swait.ge [sflag:s26], $0x1200  }
0xc9: {  	[sflag:s26] =	ssyncset.done $0x0  }
0xca: {  	s0 =	simm.s32 $0x0;
	[sflag:s26] =	ssyncadd.s32 $0xFFFFEE00  }
0xcb: {  	v7 =	vld [tilespmem:s0+$0x12C00]  }
0xcc: {  	v11 =	vld [tilespmem:s0+$0x12C10]  }
0xcd: {  	v5 =	vld [tilespmem:s0+$0x12C20]  }
0xce: {  	v4 =	vld [tilespmem:s0+$0x12C30]  }
0xcf: {  	v3 =	vld [tilespmem:s0+$0x12C40]  }
0xd0: {  	v2 =	vld [tilespmem:s0+$0x12C50]  }
0xd1: {  	v1 =	vld [tilespmem:s0+$0x12C60]  }
0xd2: {  	v0 =	vld [tilespmem:s0+$0x12C70]  }
0xd3: {  	v12 =	vld [tilespmem:s0+$0xFA00]  }
0xd4: {  	v13 =	vld [tilespmem:s0+$0xFA10]  }
0xd5: {  	v10 =	vld [tilespmem:s0+$0xFA20]  }
0xd6: {  	v9 =	vld [tilespmem:s0+$0xFA30]  }
0xd7: {  	v8 =	vld [tilespmem:s0+$0xFA40]  }
0xd8: {  	v6 =	vld [tilespmem:s0+$0xFA50];
	v12 =	vadd.f32 v7, v12  }
0xd9: {  	s9 =	simm.s32 $0x200;
	v11 =	vadd.f32 v11, v13;
	v7 =	vld [tilespmem:s0+$0xFA60]  }
.LBB2_9:
0xda: {  	s14 =	sshra.s32 s9, $0x2;
	p0 =	sne.s32 s9, $0xC600;
	[tilespmem:s0+$0xFA00] =	vst v12;
	v5 =	vadd.f32 v5, v10;
	v10 =	vld [tilespmem:s0+$0xFA70]  }
0xdb: {  	v12 =	vld [tilespmem:s14+$0x12C00];
	[tilespmem:s0+$0xFA10] =	vst v11;
	v4 =	vadd.f32 v4, v9  }
0xdc: {  	v11 =	vld [tilespmem:s14+$0x12C10];
	[tilespmem:s0+$0xFA20] =	vst v5;
	v3 =	vadd.f32 v3, v8  }
0xdd: {  	v5 =	vld [tilespmem:s14+$0x12C20];
	[tilespmem:s0+$0xFA30] =	vst v4;
	v2 =	vadd.f32 v2, v6  }
0xde: {  	v4 =	vld [tilespmem:s14+$0x12C30];
	[tilespmem:s0+$0xFA40] =	vst v3;
	v1 =	vadd.f32 v1, v7  }
0xdf: {  	v3 =	vld [tilespmem:s14+$0x12C40];
	[tilespmem:s0+$0xFA50] =	vst v2;
	v0 =	vadd.f32 v0, v10  }
0xe0: {  	v2 =	vld [tilespmem:s14+$0x12C50];
	[tilespmem:s0+$0xFA60] =	vst v1  }
0xe1: {  	v1 =	vld [tilespmem:s14+$0x12C60];
	[tilespmem:s0+$0xFA70] =	vst v0;
	s0 =	smov.u32 s14  }
0xe2: {  	v0 =	vld [tilespmem:s0+$0x12C70]  }
0xe3: {  	v6 =	vld [tilespmem:s0+$0xFA00]  }
0xe4: {  	v7 =	vld [tilespmem:s0+$0xFA10]  }
.Ltmp3:
0xe5: {  	v10 =	vld [tilespmem:s0+$0xFA20];
	(pc) =	sbr.rel @p0 .LBB2_9-.Ltmp3, $4  }
0xe6: {  	v9 =	vld [tilespmem:s0+$0xFA30]  }
0xe7: {  	v8 =	vld [tilespmem:s0+$0xFA40]  }
0xe8: {  	v12 =	vadd.f32 v12, v6;
	v6 =	vld [tilespmem:s0+$0xFA50]  }
0xe9: {  	s9 =	sadd.s32 $0x200, s9;
	v11 =	vadd.f32 v11, v7;
	v7 =	vld [tilespmem:s0+$0xFA60]  }
0xea: {  	[tilespmem:s0+$0xFA00] =	vst v12;
	v5 =	vadd.f32 v5, v10;
	v63 =	vld [tilespmem:s0+$0xFA70]  }
0xeb: {  	[tilespmem:s0+$0xFA10] =	vst v11;
	v4 =	vadd.f32 v4, v9  }
0xec: {  	s31 =	sadd.s32 $0x1, s31;
	[tilespmem:s0+$0xFA20] =	vst v5;
	v3 =	vadd.f32 v3, v8  }
0xed: {  	p0 =	sne.s32 s31, $0x20;
	[tilespmem:s0+$0xFA30] =	vst v4;
	v2 =	vadd.f32 v2, v6  }
.Ltmp4:
0xee: {  	s1 =	sadd.s32 s6, s1;
	[tilespmem:s0+$0xFA40] =	vst v3;
	v1 =	vadd.f32 v1, v7;
	(pc) =	sbr.rel @p0 .LBB2_2-.Ltmp4, $4  }
0xef: {  	s1 =	smul.u32 $0x640, s1;
	[tilespmem:s0+$0xFA50] =	vst v2;
	v0 =	vadd.f32 v0, v63  }
0xf0: {  	[tilespmem:s0+$0xFA60] =	vst v1  }
0xf1: {  	s17 =	sadd.s32 s2, s1;
	[tilespmem:s0+$0xFA70] =	vst v0  }
0xf2: {  	[hbm4b:s17+s3] =	stream.linear.scatter [tilespmem:s22], [sflag:$0x8], $0x3200, $0x38;
	[tilespmem:$0x15E00] =	vst v63  }
0xf3: {  	s30 =	sadd.s32 $0x1, s30  }
0xf4: {  	_ =	swait.ge [sflag:s28], $0x3200;
	p0 =	sne.s32 s30, s8  }
.Ltmp5:
0xf5: {  	[sflag:s28] =	ssyncset.done $0x0;
	(pc) =	sbr.rel @p0 .LBB2_1-.Ltmp5, $4  }
0xf6: {  	[sflag:s28] =	ssyncadd.s32 $0xFFFFCE00  }
0xf7: {  	_ =	swait.ge [sflag:s29], $0x3200  }
0xf8: {  	[sflag:s29] =	ssyncset.done $0x0  }
0xf9: {  	[sflag:s29] =	ssyncadd.s32 $0xFFFFCE00  }
0xfa: {  	_ =	sfence.sel $0x180000  }
0xfb: {  	[bflag:$0x0] =	sbarrier.arrive $0xFFFF  }
0xfc: {  	_ =	strace $0x90000047  }
0xfd: {  	s0 =	stileid.u32;
	[bflag:$0x2] =	sbarrier.arrive $0xFFFF  }
0xfe: {  	p0 =	sne.s32 s0, $0x0;
	s0 =	rddreg [dreg:$0x2]  }
0xff: {  	s0 =	sadd.s32 @!p0 $0x100000, s0  }
0x100: {  	[sflag:s0] =	ssyncadd.tile.s32 @!p0 $0x1;
	_ =	shalt  }
.Lfunc_end2:
_tile_overlayer_lowered:
.L_overlay_start_2:
0x101: {  	(tag) =	ssettag $0x2  }
0x102: {  	s0 =	rddreg [dreg:$0x0];
	s2 =	stileid.u32  }
0x103: {  	s1 =	rddreg [dreg:$0x1];
	p0 =	sne.s32 s2, $0x0  }
0x104: {  	s3 =	rddreg [dreg:$0x2];
	[bflag:$0x3] =	sbarrier.arrive $0xFFFF;
	s2 =	simm.s32 @!p0 $0x1C09  }
0x105: {  	[timem:s3], [sflag:s2] =	dma.local @!p0 [hbm:s0], s1  }
0x106: {  	s0 =	simm.s32 @!p0 $0x9  }
0x107: {  	_ =	swait.ge @!p0 [sflag:s0], s1  }
0x108: {  	s1 =	ssub.s32 @!p0 $0x0, s1;
	[sflag:s0] =	ssyncset.done @!p0 $0x0  }
0x109: {  	[sflag:s0] =	ssyncadd.s32 @!p0 s1  }
0x10a: {  	[bflag:$0x3] =	sbarrier.arrive $0xFFFF  }
0x10b: {  	_ =	shalt  }

// kernel: sparse-core-data-format-call.cloned.1.call-start
scs
called_computation_lowered:
.L_overlay_start_0:
0x0: {  	s2 =	sld [smem:$0x3FD9]  }
0x1: {  	s3 =	sld [smem:$0x3FFE];
	_ =	sdelay $0x1  }
0x2: {  	s1 =	srdreg.scid  }
0x3: {  	s0 =	sand.u32 $0x1, s1  }
0x4: {  	s18 =	sshll.u32 s0, $0xA;
	s2 =	sadd.s32 s3, s2  }
0x5: {  	s2 =	sadd.s32 s2, s18  }
0x6: {  	[smem:$0x3FC5] =	sst s2  }
0x7: {  	_ = 	snop  }
0x8: {  	s2 =	sld [smem:$0x3FD0];
	(tm) =	ssettm $0x1  }
0x9: {  	s19 =	sld [smem:$0x3FFB];
	_ =	sdelay $0x3  }
0xa: {  	_ =	strace s19  }
0xb: {  	s3 =	sld [smem:$0x3FFC];
	_ =	sdelay $0x3  }
0xc: {  	_ =	strace s3  }
0xd: {  	s3 =	sld [smem:$0x3FFD];
	_ =	sdelay $0x3  }
0xe: {  	_ =	strace s3  }
0xf: {  	_ =	strace $0x8FFFFFFF  }
0x10: {  	s20 =	sld [smem:$0x3FDB];
	_ =	sdelay $0x1  }
0x11: {  	s4 =	simm.s32 $_scs_section_size  }
0x12: {  	s5 =	simm.s32 $_size__tile_overlayer_lowered;
	s6 =	simm.s32 $_tile_overlayer_lowered  }
0x13: {  	s23 =	simm.s32 $0x1BFF;
	s22 =	sshll.u32 s6, $0x1;
	s3 =	sadd.s32 s4, s20  }
0x14: {  	s7 =	simm.s32 $0x0;
	s21 =	sshll.u32 s5, $0x1;
	s5 =	sadd.s32 s22, s3  }
0x15: {  	[timem:s7], [sflag:s23] =	dma.local [hbm:s5], s21  }
0x16: {  	_ =	swait.ge [sflag:s23], s21  }
0x17: {  	s4 =	ssub.s32 $0x0, s21;
	[sflag:s23] =	ssyncset.done $0x0  }
0x18: {  	[sflag:s23] =	ssyncadd.s32 s4;
	_ =	sdelay $0x1  }
0x19: {  	s24 =	simm.s32 $0x1B8B  }
0x1a: {  	_ =	swait.ge [sflag:s24], $0x1  }
0x1b: {  	[sflag:s24] =	ssyncset.done $0x0  }
0x1c: {  	s26 =	simm.s32 $0x1B8E;
	s25 =	sld [smem:$0x3FFE];
	[sflag:s24] =	ssyncadd.s32 $0xFFFFFFFF  }
0x1d: {  	s27 =	simm.s32 $execute0_lowered;
	[smem:$0x3FD2] =	sst s26  }
0x1e: {  	s5 =	sshll.u32 s27, $0x1;
	_ =	strace $0x80000049;
	[dreg:$0x1] =	wrdreg $0xFFFFFFFF  }
0x1f: {  	s28 =	simm.s32 $_size_execute0_lowered;
	s3 =	sadd.s32 s3, s5;
	[dreg:$0x0] =	wrdreg $0x0  }
0x20: {  	s5 =	sshll.u32 s28, $0x1;
	[dreg:$0x2] =	wrdreg s3  }
0x21: {  	[dreg:$0x3] =	wrdreg s5  }
0x22: {  	[dreg:$0x4] =	wrdreg $0xC0  }
0x23: {  	_ =	task [dreg:s7], $0x5FFFF  }
0x24: {  	[dreg:$0x1] =	wrdreg $0xFFFFFFFF  }
0x25: {  	[dreg:$0x0] =	wrdreg $0x60  }
0x26: {  	[dreg:$0x2] =	wrdreg s25  }
0x27: {  	[dreg:$0x3] =	wrdreg s2  }
0x28: {  	[dreg:$0x4] =	wrdreg $0x9  }
0x29: {  	_ =	task.clear_ibuf [dreg:s7], $0x5FFFF;
	_ =	strace $0x90000049  }
0x2a: {  	s29 =	simm.s32 $0x9;
	_ =	strace $0x8000004B  }
0x2b: {  	_ =	swait.ge [sflag:s29], $0x1  }
0x2c: {  	[sflag:s29] =	ssyncadd.s32 $0xFFFFFFFF  }
0x2d: {  	_ =	strace $0x9000004B  }
0x2e: {  	_ =	sfence  }
0x2f: {  	s30 =	sld [smem:$0x0];
	_ =	sdelay $0x2  }
0x30: {  	s31 =	sshll.u32 s1, $0xD;
	s1 =	sshrl.u32 s1, $0x2  }
0x31: {  	s3 =	sand.u32 $0x4000, s31;
	s1 =	sadd.s32 s1, s30  }
0x32: {  	s0 =	sor.u32 s3, s0;
	s1 =	sshll.u32 s1, $0x11  }
0x33: {  	s0 =	sor.u32 s1, s0  }
0x34: {  	s0 =	sadd.s32 $0x8F2B, s0  }
0x35: {  	[sflag:s0] =	ssyncadd.remote.s32 $0x1  }
0x36: {  	_ =	sfence.sel $0xFFFF  }
0x37: {  	[dreg:$0x0] =	wrdreg $0xFFFFFFFF;
	(pc) =	sbr.abs _section_cstart, $3  }
0x38: {  	[dreg:$0x1] =	wrdreg $0xFFFFFFFF  }
0x39: {  	_ =	task.clear_ibuf [dreg:s7], $0x2FFFF;
	_ =	strace $0x9FFFFFFF  }
0x3a: {  	(tm) =	ssettm $0x7FFFFFFF  }
0x3b: {  	_ =	shalt  }
tec
execute0_lowered:
.L_overlay_start_1:
0x0: {  	(tag) =	ssettag $0x1  }
0x1: {  	s0 =	srdreg.scid  }
0x2: {  	s1 =	sshll.u32 s0, $0x4  }
0x3: {  	s0 =	stileid.u32;
	s1 =	sand.u32 $0x10, s1  }
0x4: {  	s1 =	sor.u32 s0, s1  }
0x5: {  	s6 =	rddreg [dreg:$0x0];
	s4 =	simm.s32 $0x1;
	s2 =	sshll.u32 s1, $0x7  }
0x6: {  	s7 =	simm.s32 $0x2;
	s12 =	simm.s32 $0x0;
	s1 =	ssub.s32 $0x1000, s2  }
0x7: {  	s8 =	simm.s32 $0x8000;
	s13 =	simm.s32 $0x0;
	s3 =	sand.u32 $0xF80, s1  }
0x8: {  	s9 =	simm.s32 $0x0;
	s5 =	sshrl.u32 s1, $0xC;
	p0 =	sne.s32 s3, $0x0  }
.Ltmp0:
0x9: {  	s1 =	rddreg [dreg:$0x2];
	s4 =	simm.s32 @!p0 $0x0;
	(pc) =	sbr.rel .LBB1_1-.Ltmp0, $4  }
0xa: {  	s11 =	simm.s32 $0x0;
	s3 =	rddreg [dreg:$0x1];
	s5 =	sadd.s32 s4, s5  }
0xb: {  	_ =	strace $0x8000004A;
	s4 =	simm.s32 $0x1;
	s5 =	smul.u32 $0xC8, s5  }
0xc: {  	s6 =	sadd.s32 $0x800, s6;
	s10 =	smov.u32 s2;
	[sflag:s4] =	ssyncpa.u1 $0x0  }
0xd: {  	p0 =	por $0x0, $0x0;
	[sflag:s7] =	ssyncpa.u1 $0x0;
	s7 =	sor.u32 $0x1, s5  }
.LBB1_4:
0xe: {  	s16 =	sshll.u32 s13, $0x3;
	s17 =	sand.u32 $0x78, s13  }
0xf: {  	s30 =	sand.u32 $0x7E00, s13;
	s12 =	sshll.u32 s12, $0xF;
	s16 =	sand.u32 $0xC00, s16  }
0x10: {  	[tilespmem:s15+$0x810 ss:$0x81] =	vst.msk $0xffff, v2;
	s31 =	sand.u32 $0x7, s13;
	s16 =	sor.u32 s17, s16;
	s17 =	sadd.s32 s3, s30  }
0x11: {  	[tilespmem:s15+$0x1020 ss:$0x81] =	vst.msk $0xffff, v0;
	s13 =	sshll.u32 s31, $0x12;
	s12 =	sadd.s32 s12, s17;
	s16 =	sshrl.u32 s16, $0x3  }
0x12: {  	[tilespmem:s15+$0x0 ss:$0x81] =	vst.msk $0xffff, v1;
	s13 =	sor.u32 $0x400, s13;
	s12 =	sadd.s32 s16, s12  }
0x13: {  	[hbm4b:s12+s13] =	stream.strided.scatter [tilespmem:s14], [sflag:$0x2], $0x2000, s8, s13, $0x20;
	[tilespmem:$0x8080] =	vst v63  }
.LBB1_5:
0x14: {  	s14 =	sadd.s32 $0x1, s9  }
0x15: {  	s12 =	sadd.s32 $0x1000, s10;
	s16 =	smov.u32 s10;
	p2 =	sgt.s32 s14, $0xC7  }
0x16: {  	s16 =	smov.u32 @p2 s12  }
0x17: {  	s14 =	simm.s32 @p2 $0x0;
	p2 =	sgt.s32 s16, $0xFFF  }
0x18: {  	s16 =	smov.u32 @p2 s2;
	p2 =	sne.s32 s11, s7  }
.Ltmp1:
0x19: {  	p1 =	slt.u32 s11, $0x2;
	(pc) =	sbr.rel @!p2 .LBB1_6-.Ltmp1, $4  }
0x1a: {  	s15 =	simm.s32 @!p1 $0x2  }
0x1b: {  	s13 =	smov.u32 s10;
	p0 =	por !p0, !p0;
	_ =	swait.ge @!p1 [sflag:s15], $0x2000  }
0x1c: {  	s12 =	smov.u32 s9;
	[sflag:s15] =	ssyncset.done @!p1 $0x0;
	s9 =	smov.u32 s14  }
0x1d: {  	s11 =	sadd.s32 $0x1, s11;
	[sflag:s15] =	ssyncadd.s32 @!p1 $0xFFFFE000;
	s10 =	smov.u32 s16  }
.LBB1_1:
0x1e: {  	p1 =	sge.u32 s11, s5  }
0x1f: {  	s14 =	sand.u32 @!p1 $0x1FFFFFF, s9  }
0x20: {  	s15 =	smulhi.u32 @!p1 $0x147AE15, s14;
	_ =	sdelay $0x1  }
0x21: {  	s15 =	smul.u32 @!p1 $0xC8, s15  }
0x22: {  	s16 =	sxor.u32 @!p1 $0xFFFFFFFF, s11;
	s17 =	smul.u32 @!p1 $0xC80, s10  }
0x23: {  	s31 =	sadd.s32 $0xFFFFFFFF, s11;
	s16 =	sshll.u32 @!p1 s16, $0xD;
	s14 =	ssub.s32 @!p1 s14, s15  }
0x24: {  	s15 =	sand.u32 @!p1 $0x2000, s16;
	s16 =	sadd.s32 @!p1 s6, s17;
	s14 =	sshll.u32 @!p1 s14, $0x4  }
0x25: {  	s17 =	simm.s32 @!p1 $0x6400;
	s14 =	sadd.s32 @!p1 s14, s16;
	s16 =	simm.s32 @!p1 $0x40  }
0x26: {  	[tilespmem:s15], [sflag:$0x1] =	stream.strided.gather @!p1 [hbm4b:s14+s16], $0x2000, s17, s16, $0x38;
	[tilespmem:$0x8080] =	vst v63  }
0x27: {  	p1 =	sge.u32 s31, s5  }
.Ltmp2:
0x28: {  	_ = 	snop;
	(pc) =	sbr.rel @p1 .LBB1_5-.Ltmp2, $1  }
0x29: {  	_ =	sdelay $0x3  }
0x2a: {  	s14 =	simm.s32 $0x1  }
0x2b: {  	_ =	swait.ge [sflag:s4], $0x2000;
	s14 =	simm.s32 @!p0 $0x0  }
0x2c: {  	[sflag:s4] =	ssyncset.done $0x0;
	s15 =	sshll.u32 s14, $0xD  }
0x2d: {  	[sflag:s4] =	ssyncadd.s32 $0xFFFFE000;
	s18 =	sor.u32 $0x20, s15  }
0x2e: {  	s14 =	smul.u32 $0x8100, s14;
	v3 =	vld [tilespmem:s18+$0x10]  }
0x2f: {  	s30 =	sand.u32 $0x1, s11;
	v2 =	vld [tilespmem:s18+$0xFFFFFFF0]  }
0x30: {  	s15 =	smul.u32 $0x8100, s30;
	s14 =	sshrl.u32 s14, $0x2;
	v0 =	vld [tilespmem:s18+$0x0]  }
0x31: {  	v1 =	vld [tilespmem:s18+$0xFFFFFFE0];
	s16 =	sor.u32 $0x4000, s14  }
0x32: {  	s31 =	sshrl.u32 s15, $0x2;
	s15 =	sadd.s32 $0x0, s16  }
0x33: {  	s17 =	simm.s32 $0x4;
	s18 =	sadd.s32 $0x40, s18;
	s14 =	sor.u32 $0x4000, s31;
	[tilespmem:s15+$0x1830 ss:$0x81] =	vst.msk $0xffff, v3  }
.LBB1_3:
0x34: {  	v3 =	vld [tilespmem:s18+$0x10];
	p1 =	sne.s32 s17, $0x1FC;
	[tilespmem:s15+$0x810 ss:$0x81] =	vst.msk $0xffff, v2;
	s19 =	smov.u32 s17;
	s17 =	sadd.s32 $0x4, s17  }
.Ltmp3:
0x35: {  	v2 =	vld [tilespmem:s18+$0xFFFFFFF0];
	[tilespmem:s15+$0x1020 ss:$0x81] =	vst.msk $0xffff, v0;
	(pc) =	sbr.rel @p1 .LBB1_3-.Ltmp3, $4  }
0x36: {  	v0 =	vld [tilespmem:s18+$0x0];
	[tilespmem:s15+$0x0 ss:$0x81] =	vst.msk $0xffff, v1  }
0x37: {  	s15 =	sshra.s32 s19, $0x2;
	v1 =	vld [tilespmem:s18+$0xFFFFFFE0]  }
0x38: {  	s15 =	sadd.s32 s15, s16  }
0x39: {  	s18 =	sadd.s32 $0x40, s18;
	[tilespmem:s15+$0x1830 ss:$0x81] =	vst.msk $0xffff, v3  }
.Ltmp4:
0x3a: {  	_ = 	snop;
	(pc) =	sbr.rel .LBB1_4-.Ltmp4, $1  }
0x3b: {  	_ =	sdelay $0x3  }
.LBB1_6:
0x3c: {  	_ =	sfence.sel $0x180000  }
0x3d: {  	s2 =	simm.s32 $0x1;
	[bflag:$0x0] =	sbarrier.arrive $0xFFFF  }
0x3e: {  	s31 =	simm.s32 $0x2;
	[sflag:s2] =	ssyncpa.u1 $0x1  }
0x3f: {  	[sflag:s31] =	ssyncpa.u1 $0x1  }
0x40: {  	p0 =	sne.s32 s0, $0x0;
	_ =	strace $0x9000004A  }
0x41: {  	s0 =	sadd.s32 @!p0 $0x100000, s1;
	[bflag:$0x2] =	sbarrier.arrive $0xFFFF  }
0x42: {  	[sflag:s0] =	ssyncadd.tile.s32 @!p0 $0x1;
	_ =	shalt  }
.Lfunc_end1:
_tile_overlayer_lowered:
.L_overlay_start_2:
0x43: {  	(tag) =	ssettag $0x2  }
0x44: {  	s0 =	rddreg [dreg:$0x0];
	s2 =	stileid.u32  }
0x45: {  	s1 =	rddreg [dreg:$0x1];
	p0 =	sne.s32 s2, $0x0  }
0x46: {  	s3 =	rddreg [dreg:$0x2];
	[bflag:$0x3] =	sbarrier.arrive $0xFFFF;
	s2 =	simm.s32 @!p0 $0x1C01  }
0x47: {  	[timem:s3], [sflag:s2] =	dma.local @!p0 [hbm:s0], s1  }
0x48: {  	s0 =	simm.s32 @!p0 $0x1  }
0x49: {  	_ =	swait.ge @!p0 [sflag:s0], s1  }
0x4a: {  	s1 =	ssub.s32 @!p0 $0x0, s1;
	[sflag:s0] =	ssyncset.done @!p0 $0x0  }
0x4b: {  	[sflag:s0] =	ssyncadd.s32 @!p0 s1  }
0x4c: {  	[bflag:$0x3] =	sbarrier.arrive $0xFFFF  }
0x4d: {  	_ =	shalt  }

</sc_bundles>
